<compile_context>
chip_gen: v7x
topology: tpu7x:2x2x1
jax: 0.10.2.dev20260603
libtpu: 0.0.44.dev20260713+nightly
codegen_flags: <defaults>
</compile_context>

<pallas_src>
import functools

import jax
import jax.numpy as jnp
from jax import lax
from jax.experimental import pallas as pl
from jax.experimental.pallas import tpu as pltpu
from jax.experimental.pallas import tpu_sc as plsc

_EMBED_DIM = 64
_NBUF = 4


@functools.lru_cache(maxsize=None)
def _make_gather(BATCH: int, SEQ: int, D: int):
    info = plsc.get_sparse_core_info()
    NC, NS = info.num_cores, info.num_subcores
    NW = NC * NS
    assert BATCH % NW == 0
    rows_per_w = BATCH // NW
    C = SEQ
    R = _NBUF
    assert rows_per_w % R == 0
    n_steps = rows_per_w
    n_groups = n_steps // R

    mesh = plsc.VectorSubcoreMesh(core_axis_name="c", subcore_axis_name="s")

    @functools.partial(
        pl.kernel,
        mesh=mesh,
        compiler_params=pltpu.CompilerParams(use_tc_tiling_on_sc=True),
        out_type=jax.ShapeDtypeStruct((BATCH, SEQ, 128), jnp.float32),
        scratch_types=[
            pltpu.VMEM((rows_per_w * SEQ,), jnp.int32),
            pltpu.VMEM((R, C, 128), jnp.float32),
        ]
        + [pltpu.SemaphoreType.DMA] * (2 * R),
    )
    def gather(ids_hbm, table_hbm, out_hbm, idx_v, rows_v, *sems):
        sem_g = sems[:R]
        sem_s = sems[R:]
        wid = lax.axis_index("s") * NC + lax.axis_index("c")
        base_b = wid * rows_per_w

        pltpu.sync_copy(ids_hbm.at[pl.ds(base_b * SEQ, rows_per_w * SEQ)], idx_v)

        def fire_gather(i, b):
            pltpu.async_copy(
                table_hbm.at[idx_v.at[pl.ds(i * C, C)]], rows_v.at[b], sem_g[b]
            )

        def wait_gather(i, b):
            pltpu.make_async_copy(
                table_hbm.at[idx_v.at[pl.ds(i * C, C)]], rows_v.at[b], sem_g[b]
            ).wait()

        def fire_store(i, b):
            pltpu.async_copy(rows_v.at[b], out_hbm.at[base_b + i], sem_s[b])

        def wait_store(i, b):
            pltpu.make_async_copy(
                rows_v.at[b], out_hbm.at[base_b + i], sem_s[b]
            ).wait()

        for b in range(R - 1):
            fire_gather(b, b)

        def body(g, carry):
            i0 = g * R
            for b in range(R):
                i = i0 + b
                wait_gather(i, b)
                fire_store(i, b)

                @pl.when(i > 0)
                def _(i=i, b=b):
                    wait_store(i - 1, (b - 1) % R)

                @pl.when(i + R - 1 < n_steps)
                def _(i=i, b=b):
                    fire_gather(i + R - 1, (b - 1) % R)

            return carry

        lax.fori_loop(0, n_groups, body, 0)
        wait_store(n_steps - 1, (n_steps - 1) % R)

    return gather


def kernel(input_ids, attention_mask, table):
    bsz, seq = input_ids.shape
    ids_flat = input_ids.reshape(-1).astype(jnp.int32)
    pad_proj = jnp.eye(_EMBED_DIM, 128, dtype=table.dtype)
    table_p = jax.lax.dot(table, pad_proj, precision=jax.lax.Precision.DEFAULT)
    out = _make_gather(bsz, seq, _EMBED_DIM)(ids_flat, table_p)
    return out[:, :, :_EMBED_DIM], attention_mask

# --- scband reference (transcript-rebuilt; emitter-appended) ---
"""Pipeline reference for scband-word-embeddings-66211215835184 (READ-ONLY COPY).

The authoritative reference and input builder live on the scoring server;
editing this copy changes nothing except your own understanding.
"""

import jax, jax.numpy as jnp
import numpy as np

VOCAB = 1000000
EMBED_DIM = 64
BATCH = 4096
SEQ = 200

def setup_inputs(seed: int = 0) -> dict:
    key = jax.random.key(seed)
    k_ids, k_tab = jax.random.split(key, 2)
    input_ids = jax.random.randint(k_ids, (BATCH, SEQ), 0, VOCAB, dtype=jnp.int64) if jax.config.jax_enable_x64 else jax.random.randint(k_ids, (BATCH, SEQ), 0, VOCAB, dtype=jnp.int32)
    attention_mask = jnp.ones((BATCH, SEQ), dtype=input_ids.dtype)
    # learned parameter: embedding table (emb_layer.weight)
    table = jax.random.normal(k_tab, (VOCAB, EMBED_DIM), dtype=jnp.float32) * 0.02
    return {"input_ids": input_ids, "attention_mask": attention_mask, "table": table}

def reference(input_ids, attention_mask, table):
    # WordEmbeddings.forward: token_embeddings = emb_layer(features['input_ids'])
    token_embeddings = jnp.take(table, input_ids, axis=0)
    # cls_token_embeddings is None; features dict is updated in-place.
    # Return the tensor outputs (token_embeddings, attention_mask pass-through).
    return token_embeddings, attention_mask

if __name__ == "__main__":
    import jax
    _d = setup_inputs()
    print(jax.jit(kernel)(*tuple(_d.values())))

</pallas_src>

<mosaic_0001>
#map = affine_map<(d0, d1) -> (0)>
#map1 = affine_map<(d0, d1) -> (0, 0)>
#map2 = affine_map<(d0, d1) -> (0, 0, 0)>
module attributes {stable_mosaic.version = 14 : i64} {
  func.func @gather(%arg0: i32, %arg1: i32, %arg2: memref<819200xi32, #tpu.memory_space<hbm>>, %arg3: memref<1000000x128xf32, #tpu.memory_space<hbm>>, %arg4: memref<4096x200x128xf32, #tpu.memory_space<hbm>>, %arg5: memref<25600xi32, #tpu.memory_space<vmem>>, %arg6: memref<4x200x128xf32, #tpu.memory_space<vmem>>, %arg7: memref<!tpu.dma_semaphore, #tpu.memory_space<semaphore_mem>>, %arg8: memref<!tpu.dma_semaphore, #tpu.memory_space<semaphore_mem>>, %arg9: memref<!tpu.dma_semaphore, #tpu.memory_space<semaphore_mem>>, %arg10: memref<!tpu.dma_semaphore, #tpu.memory_space<semaphore_mem>>, %arg11: memref<!tpu.dma_semaphore, #tpu.memory_space<semaphore_mem>>, %arg12: memref<!tpu.dma_semaphore, #tpu.memory_space<semaphore_mem>>, %arg13: memref<!tpu.dma_semaphore, #tpu.memory_space<semaphore_mem>>, %arg14: memref<!tpu.dma_semaphore, #tpu.memory_space<semaphore_mem>>) attributes {dimension_semantics = [#tpu.dimension_semantics<core_parallel>, #tpu.dimension_semantics<subcore_parallel>], iteration_bounds = array<i64: 2, 16>, scalar_prefetch = 0 : i64, scratch_operands = 10 : i64, tpu.core_type = #tpu.core_type<sc_vector_subcore>, window_params = [{transform_indices = #map}, {transform_indices = #map1}, {transform_indices = #map2}]} {
    %mul3A = arith.constant 2 : i32
    %mul3A_0 = arith.muli %arg1, %mul3A : i32
    %add3A = arith.addi %mul3A_0, %arg0 : i32
    %mul3A_1 = arith.constant 128 : i32
    %mul3A_2 = arith.muli %add3A, %mul3A_1 : i32
    %mul3A_3 = arith.constant 200 : i32
    %mul3A_4 = arith.muli %mul3A_2, %mul3A_3 : i32
    "tpu.region"() ({
      %run_scoped3A = tpu.sem_alloc : memref<!tpu.dma_semaphore, #tpu.memory_space<semaphore_mem>>
      %dma_start3A_57 = tpu.memref_slice %arg2[%mul3A_4] : memref<819200xi32, #tpu.memory_space<hbm>> -> memref<25600xi32, #tpu.memory_space<hbm>>
      %dma_start3A_58 = tpu.memref_slice %arg2[%mul3A_4] : memref<819200xi32, #tpu.memory_space<hbm>> -> memref<25600xi32, #tpu.memory_space<hbm>>
      tpu.enqueue_dma source(%dma_start3A_58 : memref<25600xi32, #tpu.memory_space<hbm>>) target(%arg5 : memref<25600xi32, #tpu.memory_space<vmem>>) target_semaphore(%run_scoped3A : memref<!tpu.dma_semaphore, #tpu.memory_space<semaphore_mem>>)
      %dma_wait3A_59 = tpu.memref_slice %arg2[%mul3A_4] : memref<819200xi32, #tpu.memory_space<hbm>> -> memref<25600xi32, #tpu.memory_space<hbm>>
      %dma_wait3A_60 = tpu.memref_slice %arg2[%mul3A_4] : memref<819200xi32, #tpu.memory_space<hbm>> -> memref<25600xi32, #tpu.memory_space<hbm>>
      tpu.wait_dma2 semaphore(%run_scoped3A : memref<!tpu.dma_semaphore, #tpu.memory_space<semaphore_mem>>) src(%dma_wait3A_60 : memref<25600xi32, #tpu.memory_space<hbm>>) dst(%arg5 : memref<25600xi32, #tpu.memory_space<vmem>>)
      tpu.yield
    }) : () -> ()
    %dma_start3A = arith.constant 0 : i32
    %dma_start3A_5 = arith.constant 0 : i32
    %dma_start3A_6 = arith.constant 0 : i32
    %dma_start3A_7 = tpu.memref_slice %arg6[%dma_start3A, %dma_start3A_5, %dma_start3A_6] : memref<4x200x128xf32, #tpu.memory_space<vmem>> -> memref<1x200x128xf32, #tpu.memory_space<vmem>>
    %dma_start3A_8 = tpu.memref_squeeze %dma_start3A_7 : memref<1x200x128xf32, #tpu.memory_space<vmem>> -> memref<200x128xf32, #tpu.memory_space<vmem>>
    %dma_start3A_9 = arith.constant 0 : i32
    %dma_start3A_10 = tpu.memref_slice %arg5[%dma_start3A_9] : memref<25600xi32, #tpu.memory_space<vmem>> -> memref<200xi32, #tpu.memory_space<vmem>>
    %dma_start3A_11 = arith.constant 0 : i32
    %dma_start3A_12 = arith.constant 0 : i32
    %dma_start3A_13 = tpu.memref_slice %arg3[%dma_start3A_11, %dma_start3A_12] : memref<1000000x128xf32, #tpu.memory_space<hbm>> -> memref<1000000x128xf32, #tpu.memory_space<hbm>>
    tpu.enqueue_indirect_dma source(%dma_start3A_13 : memref<1000000x128xf32, #tpu.memory_space<hbm>>) target(%dma_start3A_8 : memref<200x128xf32, #tpu.memory_space<vmem>>) offsets(%dma_start3A_10 : memref<200xi32, #tpu.memory_space<vmem>>) semaphore(%arg7 : memref<!tpu.dma_semaphore, #tpu.memory_space<semaphore_mem>>)
    %dma_start3A_14 = arith.constant 1 : i32
    %dma_start3A_15 = arith.constant 0 : i32
    %dma_start3A_16 = arith.constant 0 : i32
    %dma_start3A_17 = tpu.memref_slice %arg6[%dma_start3A_14, %dma_start3A_15, %dma_start3A_16] : memref<4x200x128xf32, #tpu.memory_space<vmem>> -> memref<1x200x128xf32, #tpu.memory_space<vmem>>
    %dma_start3A_18 = tpu.memref_squeeze %dma_start3A_17 : memref<1x200x128xf32, #tpu.memory_space<vmem>> -> memref<200x128xf32, #tpu.memory_space<vmem>>
    %dma_start3A_19 = arith.constant 200 : i32
    %dma_start3A_20 = tpu.memref_slice %arg5[%dma_start3A_19] : memref<25600xi32, #tpu.memory_space<vmem>> -> memref<200xi32, #tpu.memory_space<vmem>>
    %dma_start3A_21 = arith.constant 0 : i32
    %dma_start3A_22 = arith.constant 0 : i32
    %dma_start3A_23 = tpu.memref_slice %arg3[%dma_start3A_21, %dma_start3A_22] : memref<1000000x128xf32, #tpu.memory_space<hbm>> -> memref<1000000x128xf32, #tpu.memory_space<hbm>>
    tpu.enqueue_indirect_dma source(%dma_start3A_23 : memref<1000000x128xf32, #tpu.memory_space<hbm>>) target(%dma_start3A_18 : memref<200x128xf32, #tpu.memory_space<vmem>>) offsets(%dma_start3A_20 : memref<200xi32, #tpu.memory_space<vmem>>) semaphore(%arg8 : memref<!tpu.dma_semaphore, #tpu.memory_space<semaphore_mem>>)
    %dma_start3A_24 = arith.constant 2 : i32
    %dma_start3A_25 = arith.constant 0 : i32
    %dma_start3A_26 = arith.constant 0 : i32
    %dma_start3A_27 = tpu.memref_slice %arg6[%dma_start3A_24, %dma_start3A_25, %dma_start3A_26] : memref<4x200x128xf32, #tpu.memory_space<vmem>> -> memref<1x200x128xf32, #tpu.memory_space<vmem>>
    %dma_start3A_28 = tpu.memref_squeeze %dma_start3A_27 : memref<1x200x128xf32, #tpu.memory_space<vmem>> -> memref<200x128xf32, #tpu.memory_space<vmem>>
    %dma_start3A_29 = arith.constant 400 : i32
    %dma_start3A_30 = tpu.memref_slice %arg5[%dma_start3A_29] : memref<25600xi32, #tpu.memory_space<vmem>> -> memref<200xi32, #tpu.memory_space<vmem>>
    %dma_start3A_31 = arith.constant 0 : i32
    %dma_start3A_32 = arith.constant 0 : i32
    %dma_start3A_33 = tpu.memref_slice %arg3[%dma_start3A_31, %dma_start3A_32] : memref<1000000x128xf32, #tpu.memory_space<hbm>> -> memref<1000000x128xf32, #tpu.memory_space<hbm>>
    tpu.enqueue_indirect_dma source(%dma_start3A_33 : memref<1000000x128xf32, #tpu.memory_space<hbm>>) target(%dma_start3A_28 : memref<200x128xf32, #tpu.memory_space<vmem>>) offsets(%dma_start3A_30 : memref<200xi32, #tpu.memory_space<vmem>>) semaphore(%arg9 : memref<!tpu.dma_semaphore, #tpu.memory_space<semaphore_mem>>)
    %scan3A = arith.constant 0 : i32
    %scan3A_34 = arith.constant 0 : i32
    %scan3A_35 = arith.constant 32 : i32
    %scan3A_36 = arith.addi %scan3A_34, %scan3A_35 : i32
    %scan3A_37 = arith.constant 1 : i32
    scf.for %scan3A_57 = %scan3A_34 to %scan3A_36 step %scan3A_37  : i32 {
      %mul3A_58 = arith.constant 4 : i32
      %mul3A_59 = arith.muli %scan3A_57, %mul3A_58 : i32
      %add3A_60 = arith.constant 0 : i32
      %add3A_61 = arith.addi %mul3A_59, %add3A_60 : i32
      %mul3A_62 = arith.constant 200 : i32
      %mul3A_63 = arith.muli %add3A_61, %mul3A_62 : i32
      %dma_wait3A_64 = arith.constant 0 : i32
      %dma_wait3A_65 = arith.constant 0 : i32
      %dma_wait3A_66 = arith.constant 0 : i32
      %dma_wait3A_67 = tpu.memref_slice %arg6[%dma_wait3A_64, %dma_wait3A_65, %dma_wait3A_66] : memref<4x200x128xf32, #tpu.memory_space<vmem>> -> memref<1x200x128xf32, #tpu.memory_space<vmem>>
      %dma_wait3A_68 = tpu.memref_squeeze %dma_wait3A_67 : memref<1x200x128xf32, #tpu.memory_space<vmem>> -> memref<200x128xf32, #tpu.memory_space<vmem>>
      %dma_wait3A_69 = tpu.memref_slice %arg5[%mul3A_63] : memref<25600xi32, #tpu.memory_space<vmem>> -> memref<200xi32, #tpu.memory_space<vmem>>
      %dma_wait3A_70 = arith.constant 0 : i32
      %dma_wait3A_71 = arith.constant 0 : i32
      %dma_wait3A_72 = tpu.memref_slice %arg3[%dma_wait3A_70, %dma_wait3A_71] : memref<1000000x128xf32, #tpu.memory_space<hbm>> -> memref<1000000x128xf32, #tpu.memory_space<hbm>>
      tpu.wait_indirect_dma semaphore(%arg7 : memref<!tpu.dma_semaphore, #tpu.memory_space<semaphore_mem>>) src(%dma_wait3A_72 : memref<1000000x128xf32, #tpu.memory_space<hbm>>) dst(%dma_wait3A_68 : memref<200x128xf32, #tpu.memory_space<vmem>>)
      %add3A_73 = arith.addi %mul3A_2, %add3A_61 : i32
      %dma_start3A_74 = arith.constant 0 : i32
      %dma_start3A_75 = arith.constant 0 : i32
      %dma_start3A_76 = arith.constant 0 : i32
      %dma_start3A_77 = tpu.memref_slice %arg6[%dma_start3A_74, %dma_start3A_75, %dma_start3A_76] : memref<4x200x128xf32, #tpu.memory_space<vmem>> -> memref<1x200x128xf32, #tpu.memory_space<vmem>>
      %dma_start3A_78 = tpu.memref_squeeze %dma_start3A_77 : memref<1x200x128xf32, #tpu.memory_space<vmem>> -> memref<200x128xf32, #tpu.memory_space<vmem>>
      %dma_start3A_79 = arith.constant 0 : i32
      %dma_start3A_80 = arith.constant 0 : i32
      %dma_start3A_81 = tpu.memref_slice %arg4[%add3A_73, %dma_start3A_79, %dma_start3A_80] : memref<4096x200x128xf32, #tpu.memory_space<hbm>> -> memref<1x200x128xf32, #tpu.memory_space<hbm>>
      %dma_start3A_82 = tpu.memref_squeeze %dma_start3A_81 : memref<1x200x128xf32, #tpu.memory_space<hbm>> -> memref<200x128xf32, #tpu.memory_space<hbm>>
      %dma_start3A_83 = arith.constant 0 : i32
      %dma_start3A_84 = arith.constant 0 : i32
      %dma_start3A_85 = tpu.memref_slice %arg4[%add3A_73, %dma_start3A_83, %dma_start3A_84] : memref<4096x200x128xf32, #tpu.memory_space<hbm>> -> memref<1x200x128xf32, #tpu.memory_space<hbm>>
      %dma_start3A_86 = tpu.memref_squeeze %dma_start3A_85 : memref<1x200x128xf32, #tpu.memory_space<hbm>> -> memref<200x128xf32, #tpu.memory_space<hbm>>
      %dma_start3A_87 = arith.constant 0 : i32
      %dma_start3A_88 = arith.constant 0 : i32
      %dma_start3A_89 = tpu.memref_slice %arg6[%dma_start3A_74, %dma_start3A_87, %dma_start3A_88] : memref<4x200x128xf32, #tpu.memory_space<vmem>> -> memref<1x200x128xf32, #tpu.memory_space<vmem>>
      %dma_start3A_90 = tpu.memref_squeeze %dma_start3A_89 : memref<1x200x128xf32, #tpu.memory_space<vmem>> -> memref<200x128xf32, #tpu.memory_space<vmem>>
      tpu.enqueue_dma source(%dma_start3A_90 : memref<200x128xf32, #tpu.memory_space<vmem>>) target(%dma_start3A_86 : memref<200x128xf32, #tpu.memory_space<hbm>>) target_semaphore(%arg11 : memref<!tpu.dma_semaphore, #tpu.memory_space<semaphore_mem>>)
      %gt3A = arith.constant 0 : i32
      %gt3A_91 = arith.cmpi sgt, %add3A_61, %gt3A : i32
      %convert_element_type3A = arith.extui %gt3A_91 : i1 to i32
      %cond3A = arith.constant 0 : i32
      %cond3A_92 = arith.cmpi ne, %convert_element_type3A, %cond3A : i32
      scf.if %cond3A_92 {
        %sub3A_235 = arith.constant 1 : i32
        %sub3A_236 = arith.subi %add3A_61, %sub3A_235 : i32
        %add3A_237 = arith.addi %mul3A_2, %sub3A_236 : i32
        %dma_wait3A_238 = arith.constant 3 : i32
        %dma_wait3A_239 = arith.constant 0 : i32
        %dma_wait3A_240 = arith.constant 0 : i32
        %dma_wait3A_241 = tpu.memref_slice %arg6[%dma_wait3A_238, %dma_wait3A_239, %dma_wait3A_240] : memref<4x200x128xf32, #tpu.memory_space<vmem>> -> memref<1x200x128xf32, #tpu.memory_space<vmem>>
        %dma_wait3A_242 = tpu.memref_squeeze %dma_wait3A_241 : memref<1x200x128xf32, #tpu.memory_space<vmem>> -> memref<200x128xf32, #tpu.memory_space<vmem>>
        %dma_wait3A_243 = arith.constant 0 : i32
        %dma_wait3A_244 = arith.constant 0 : i32
        %dma_wait3A_245 = tpu.memref_slice %arg4[%add3A_237, %dma_wait3A_243, %dma_wait3A_244] : memref<4096x200x128xf32, #tpu.memory_space<hbm>> -> memref<1x200x128xf32, #tpu.memory_space<hbm>>
        %dma_wait3A_246 = tpu.memref_squeeze %dma_wait3A_245 : memref<1x200x128xf32, #tpu.memory_space<hbm>> -> memref<200x128xf32, #tpu.memory_space<hbm>>
        %dma_wait3A_247 = arith.constant 0 : i32
        %dma_wait3A_248 = arith.constant 0 : i32
        %dma_wait3A_249 = tpu.memref_slice %arg4[%add3A_237, %dma_wait3A_247, %dma_wait3A_248] : memref<4096x200x128xf32, #tpu.memory_space<hbm>> -> memref<1x200x128xf32, #tpu.memory_space<hbm>>
        %dma_wait3A_250 = tpu.memref_squeeze %dma_wait3A_249 : memref<1x200x128xf32, #tpu.memory_space<hbm>> -> memref<200x128xf32, #tpu.memory_space<hbm>>
        %dma_wait3A_251 = arith.constant 0 : i32
        %dma_wait3A_252 = arith.constant 0 : i32
        %dma_wait3A_253 = tpu.memref_slice %arg6[%dma_wait3A_238, %dma_wait3A_251, %dma_wait3A_252] : memref<4x200x128xf32, #tpu.memory_space<vmem>> -> memref<1x200x128xf32, #tpu.memory_space<vmem>>
        %dma_wait3A_254 = tpu.memref_squeeze %dma_wait3A_253 : memref<1x200x128xf32, #tpu.memory_space<vmem>> -> memref<200x128xf32, #tpu.memory_space<vmem>>
        tpu.wait_dma2 semaphore(%arg14 : memref<!tpu.dma_semaphore, #tpu.memory_space<semaphore_mem>>) src(%dma_wait3A_254 : memref<200x128xf32, #tpu.memory_space<vmem>>) dst(%dma_wait3A_250 : memref<200x128xf32, #tpu.memory_space<hbm>>)
      } else {
      }
      %add3A_93 = arith.constant 4 : i32
      %add3A_94 = arith.addi %add3A_61, %add3A_93 : i32
      %sub3A = arith.constant 1 : i32
      %sub3A_95 = arith.subi %add3A_94, %sub3A : i32
      %lt3A = arith.constant 128 : i32
      %lt3A_96 = arith.cmpi slt, %sub3A_95, %lt3A : i32
      %convert_element_type3A_97 = arith.extui %lt3A_96 : i1 to i32
      %cond3A_98 = arith.constant 0 : i32
      %cond3A_99 = arith.cmpi ne, %convert_element_type3A_97, %cond3A_98 : i32
      scf.if %cond3A_99 {
        %add3A_235 = arith.constant 4 : i32
        %add3A_236 = arith.addi %add3A_61, %add3A_235 : i32
        %sub3A_237 = arith.constant 1 : i32
        %sub3A_238 = arith.subi %add3A_236, %sub3A_237 : i32
        %mul3A_239 = arith.constant 200 : i32
        %mul3A_240 = arith.muli %sub3A_238, %mul3A_239 : i32
        %dma_start3A_241 = arith.constant 3 : i32
        %dma_start3A_242 = arith.constant 0 : i32
        %dma_start3A_243 = arith.constant 0 : i32
        %dma_start3A_244 = tpu.memref_slice %arg6[%dma_start3A_241, %dma_start3A_242, %dma_start3A_243] : memref<4x200x128xf32, #tpu.memory_space<vmem>> -> memref<1x200x128xf32, #tpu.memory_space<vmem>>
        %dma_start3A_245 = tpu.memref_squeeze %dma_start3A_244 : memref<1x200x128xf32, #tpu.memory_space<vmem>> -> memref<200x128xf32, #tpu.memory_space<vmem>>
        %dma_start3A_246 = tpu.memref_slice %arg5[%mul3A_240] : memref<25600xi32, #tpu.memory_space<vmem>> -> memref<200xi32, #tpu.memory_space<vmem>>
        %dma_start3A_247 = arith.constant 0 : i32
        %dma_start3A_248 = arith.constant 0 : i32
        %dma_start3A_249 = tpu.memref_slice %arg3[%dma_start3A_247, %dma_start3A_248] : memref<1000000x128xf32, #tpu.memory_space<hbm>> -> memref<1000000x128xf32, #tpu.memory_space<hbm>>
        tpu.enqueue_indirect_dma source(%dma_start3A_249 : memref<1000000x128xf32, #tpu.memory_space<hbm>>) target(%dma_start3A_245 : memref<200x128xf32, #tpu.memory_space<vmem>>) offsets(%dma_start3A_246 : memref<200xi32, #tpu.memory_space<vmem>>) semaphore(%arg10 : memref<!tpu.dma_semaphore, #tpu.memory_space<semaphore_mem>>)
      } else {
      }
      %add3A_100 = arith.constant 1 : i32
      %add3A_101 = arith.addi %mul3A_59, %add3A_100 : i32
      %mul3A_102 = arith.constant 200 : i32
      %mul3A_103 = arith.muli %add3A_101, %mul3A_102 : i32
      %dma_wait3A_104 = arith.constant 1 : i32
      %dma_wait3A_105 = arith.constant 0 : i32
      %dma_wait3A_106 = arith.constant 0 : i32
      %dma_wait3A_107 = tpu.memref_slice %arg6[%dma_wait3A_104, %dma_wait3A_105, %dma_wait3A_106] : memref<4x200x128xf32, #tpu.memory_space<vmem>> -> memref<1x200x128xf32, #tpu.memory_space<vmem>>
      %dma_wait3A_108 = tpu.memref_squeeze %dma_wait3A_107 : memref<1x200x128xf32, #tpu.memory_space<vmem>> -> memref<200x128xf32, #tpu.memory_space<vmem>>
      %dma_wait3A_109 = tpu.memref_slice %arg5[%mul3A_103] : memref<25600xi32, #tpu.memory_space<vmem>> -> memref<200xi32, #tpu.memory_space<vmem>>
      %dma_wait3A_110 = arith.constant 0 : i32
      %dma_wait3A_111 = arith.constant 0 : i32
      %dma_wait3A_112 = tpu.memref_slice %arg3[%dma_wait3A_110, %dma_wait3A_111] : memref<1000000x128xf32, #tpu.memory_space<hbm>> -> memref<1000000x128xf32, #tpu.memory_space<hbm>>
      tpu.wait_indirect_dma semaphore(%arg8 : memref<!tpu.dma_semaphore, #tpu.memory_space<semaphore_mem>>) src(%dma_wait3A_112 : memref<1000000x128xf32, #tpu.memory_space<hbm>>) dst(%dma_wait3A_108 : memref<200x128xf32, #tpu.memory_space<vmem>>)
      %add3A_113 = arith.addi %mul3A_2, %add3A_101 : i32
      %dma_start3A_114 = arith.constant 1 : i32
      %dma_start3A_115 = arith.constant 0 : i32
      %dma_start3A_116 = arith.constant 0 : i32
      %dma_start3A_117 = tpu.memref_slice %arg6[%dma_start3A_114, %dma_start3A_115, %dma_start3A_116] : memref<4x200x128xf32, #tpu.memory_space<vmem>> -> memref<1x200x128xf32, #tpu.memory_space<vmem>>
      %dma_start3A_118 = tpu.memref_squeeze %dma_start3A_117 : memref<1x200x128xf32, #tpu.memory_space<vmem>> -> memref<200x128xf32, #tpu.memory_space<vmem>>
      %dma_start3A_119 = arith.constant 0 : i32
      %dma_start3A_120 = arith.constant 0 : i32
      %dma_start3A_121 = tpu.memref_slice %arg4[%add3A_113, %dma_start3A_119, %dma_start3A_120] : memref<4096x200x128xf32, #tpu.memory_space<hbm>> -> memref<1x200x128xf32, #tpu.memory_space<hbm>>
      %dma_start3A_122 = tpu.memref_squeeze %dma_start3A_121 : memref<1x200x128xf32, #tpu.memory_space<hbm>> -> memref<200x128xf32, #tpu.memory_space<hbm>>
      %dma_start3A_123 = arith.constant 0 : i32
      %dma_start3A_124 = arith.constant 0 : i32
      %dma_start3A_125 = tpu.memref_slice %arg4[%add3A_113, %dma_start3A_123, %dma_start3A_124] : memref<4096x200x128xf32, #tpu.memory_space<hbm>> -> memref<1x200x128xf32, #tpu.memory_space<hbm>>
      %dma_start3A_126 = tpu.memref_squeeze %dma_start3A_125 : memref<1x200x128xf32, #tpu.memory_space<hbm>> -> memref<200x128xf32, #tpu.memory_space<hbm>>
      %dma_start3A_127 = arith.constant 0 : i32
      %dma_start3A_128 = arith.constant 0 : i32
      %dma_start3A_129 = tpu.memref_slice %arg6[%dma_start3A_114, %dma_start3A_127, %dma_start3A_128] : memref<4x200x128xf32, #tpu.memory_space<vmem>> -> memref<1x200x128xf32, #tpu.memory_space<vmem>>
      %dma_start3A_130 = tpu.memref_squeeze %dma_start3A_129 : memref<1x200x128xf32, #tpu.memory_space<vmem>> -> memref<200x128xf32, #tpu.memory_space<vmem>>
      tpu.enqueue_dma source(%dma_start3A_130 : memref<200x128xf32, #tpu.memory_space<vmem>>) target(%dma_start3A_126 : memref<200x128xf32, #tpu.memory_space<hbm>>) target_semaphore(%arg12 : memref<!tpu.dma_semaphore, #tpu.memory_space<semaphore_mem>>)
      %gt3A_131 = arith.constant 0 : i32
      %gt3A_132 = arith.cmpi sgt, %add3A_101, %gt3A_131 : i32
      %convert_element_type3A_133 = arith.extui %gt3A_132 : i1 to i32
      %cond3A_134 = arith.constant 0 : i32
      %cond3A_135 = arith.cmpi ne, %convert_element_type3A_133, %cond3A_134 : i32
      scf.if %cond3A_135 {
        %sub3A_235 = arith.constant 1 : i32
        %sub3A_236 = arith.subi %add3A_101, %sub3A_235 : i32
        %add3A_237 = arith.addi %mul3A_2, %sub3A_236 : i32
        %dma_wait3A_238 = arith.constant 0 : i32
        %dma_wait3A_239 = arith.constant 0 : i32
        %dma_wait3A_240 = arith.constant 0 : i32
        %dma_wait3A_241 = tpu.memref_slice %arg6[%dma_wait3A_238, %dma_wait3A_239, %dma_wait3A_240] : memref<4x200x128xf32, #tpu.memory_space<vmem>> -> memref<1x200x128xf32, #tpu.memory_space<vmem>>
        %dma_wait3A_242 = tpu.memref_squeeze %dma_wait3A_241 : memref<1x200x128xf32, #tpu.memory_space<vmem>> -> memref<200x128xf32, #tpu.memory_space<vmem>>
        %dma_wait3A_243 = arith.constant 0 : i32
        %dma_wait3A_244 = arith.constant 0 : i32
        %dma_wait3A_245 = tpu.memref_slice %arg4[%add3A_237, %dma_wait3A_243, %dma_wait3A_244] : memref<4096x200x128xf32, #tpu.memory_space<hbm>> -> memref<1x200x128xf32, #tpu.memory_space<hbm>>
        %dma_wait3A_246 = tpu.memref_squeeze %dma_wait3A_245 : memref<1x200x128xf32, #tpu.memory_space<hbm>> -> memref<200x128xf32, #tpu.memory_space<hbm>>
        %dma_wait3A_247 = arith.constant 0 : i32
        %dma_wait3A_248 = arith.constant 0 : i32
        %dma_wait3A_249 = tpu.memref_slice %arg4[%add3A_237, %dma_wait3A_247, %dma_wait3A_248] : memref<4096x200x128xf32, #tpu.memory_space<hbm>> -> memref<1x200x128xf32, #tpu.memory_space<hbm>>
        %dma_wait3A_250 = tpu.memref_squeeze %dma_wait3A_249 : memref<1x200x128xf32, #tpu.memory_space<hbm>> -> memref<200x128xf32, #tpu.memory_space<hbm>>
        %dma_wait3A_251 = arith.constant 0 : i32
        %dma_wait3A_252 = arith.constant 0 : i32
        %dma_wait3A_253 = tpu.memref_slice %arg6[%dma_wait3A_238, %dma_wait3A_251, %dma_wait3A_252] : memref<4x200x128xf32, #tpu.memory_space<vmem>> -> memref<1x200x128xf32, #tpu.memory_space<vmem>>
        %dma_wait3A_254 = tpu.memref_squeeze %dma_wait3A_253 : memref<1x200x128xf32, #tpu.memory_space<vmem>> -> memref<200x128xf32, #tpu.memory_space<vmem>>
        tpu.wait_dma2 semaphore(%arg11 : memref<!tpu.dma_semaphore, #tpu.memory_space<semaphore_mem>>) src(%dma_wait3A_254 : memref<200x128xf32, #tpu.memory_space<vmem>>) dst(%dma_wait3A_250 : memref<200x128xf32, #tpu.memory_space<hbm>>)
      } else {
      }
      %add3A_136 = arith.constant 4 : i32
      %add3A_137 = arith.addi %add3A_101, %add3A_136 : i32
      %sub3A_138 = arith.constant 1 : i32
      %sub3A_139 = arith.subi %add3A_137, %sub3A_138 : i32
      %lt3A_140 = arith.constant 128 : i32
      %lt3A_141 = arith.cmpi slt, %sub3A_139, %lt3A_140 : i32
      %convert_element_type3A_142 = arith.extui %lt3A_141 : i1 to i32
      %cond3A_143 = arith.constant 0 : i32
      %cond3A_144 = arith.cmpi ne, %convert_element_type3A_142, %cond3A_143 : i32
      scf.if %cond3A_144 {
        %add3A_235 = arith.constant 4 : i32
        %add3A_236 = arith.addi %add3A_101, %add3A_235 : i32
        %sub3A_237 = arith.constant 1 : i32
        %sub3A_238 = arith.subi %add3A_236, %sub3A_237 : i32
        %mul3A_239 = arith.constant 200 : i32
        %mul3A_240 = arith.muli %sub3A_238, %mul3A_239 : i32
        %dma_start3A_241 = arith.constant 0 : i32
        %dma_start3A_242 = arith.constant 0 : i32
        %dma_start3A_243 = arith.constant 0 : i32
        %dma_start3A_244 = tpu.memref_slice %arg6[%dma_start3A_241, %dma_start3A_242, %dma_start3A_243] : memref<4x200x128xf32, #tpu.memory_space<vmem>> -> memref<1x200x128xf32, #tpu.memory_space<vmem>>
        %dma_start3A_245 = tpu.memref_squeeze %dma_start3A_244 : memref<1x200x128xf32, #tpu.memory_space<vmem>> -> memref<200x128xf32, #tpu.memory_space<vmem>>
        %dma_start3A_246 = tpu.memref_slice %arg5[%mul3A_240] : memref<25600xi32, #tpu.memory_space<vmem>> -> memref<200xi32, #tpu.memory_space<vmem>>
        %dma_start3A_247 = arith.constant 0 : i32
        %dma_start3A_248 = arith.constant 0 : i32
        %dma_start3A_249 = tpu.memref_slice %arg3[%dma_start3A_247, %dma_start3A_248] : memref<1000000x128xf32, #tpu.memory_space<hbm>> -> memref<1000000x128xf32, #tpu.memory_space<hbm>>
        tpu.enqueue_indirect_dma source(%dma_start3A_249 : memref<1000000x128xf32, #tpu.memory_space<hbm>>) target(%dma_start3A_245 : memref<200x128xf32, #tpu.memory_space<vmem>>) offsets(%dma_start3A_246 : memref<200xi32, #tpu.memory_space<vmem>>) semaphore(%arg7 : memref<!tpu.dma_semaphore, #tpu.memory_space<semaphore_mem>>)
      } else {
      }
      %add3A_145 = arith.constant 2 : i32
      %add3A_146 = arith.addi %mul3A_59, %add3A_145 : i32
      %mul3A_147 = arith.constant 200 : i32
      %mul3A_148 = arith.muli %add3A_146, %mul3A_147 : i32
      %dma_wait3A_149 = arith.constant 2 : i32
      %dma_wait3A_150 = arith.constant 0 : i32
      %dma_wait3A_151 = arith.constant 0 : i32
      %dma_wait3A_152 = tpu.memref_slice %arg6[%dma_wait3A_149, %dma_wait3A_150, %dma_wait3A_151] : memref<4x200x128xf32, #tpu.memory_space<vmem>> -> memref<1x200x128xf32, #tpu.memory_space<vmem>>
      %dma_wait3A_153 = tpu.memref_squeeze %dma_wait3A_152 : memref<1x200x128xf32, #tpu.memory_space<vmem>> -> memref<200x128xf32, #tpu.memory_space<vmem>>
      %dma_wait3A_154 = tpu.memref_slice %arg5[%mul3A_148] : memref<25600xi32, #tpu.memory_space<vmem>> -> memref<200xi32, #tpu.memory_space<vmem>>
      %dma_wait3A_155 = arith.constant 0 : i32
      %dma_wait3A_156 = arith.constant 0 : i32
      %dma_wait3A_157 = tpu.memref_slice %arg3[%dma_wait3A_155, %dma_wait3A_156] : memref<1000000x128xf32, #tpu.memory_space<hbm>> -> memref<1000000x128xf32, #tpu.memory_space<hbm>>
      tpu.wait_indirect_dma semaphore(%arg9 : memref<!tpu.dma_semaphore, #tpu.memory_space<semaphore_mem>>) src(%dma_wait3A_157 : memref<1000000x128xf32, #tpu.memory_space<hbm>>) dst(%dma_wait3A_153 : memref<200x128xf32, #tpu.memory_space<vmem>>)
      %add3A_158 = arith.addi %mul3A_2, %add3A_146 : i32
      %dma_start3A_159 = arith.constant 2 : i32
      %dma_start3A_160 = arith.constant 0 : i32
      %dma_start3A_161 = arith.constant 0 : i32
      %dma_start3A_162 = tpu.memref_slice %arg6[%dma_start3A_159, %dma_start3A_160, %dma_start3A_161] : memref<4x200x128xf32, #tpu.memory_space<vmem>> -> memref<1x200x128xf32, #tpu.memory_space<vmem>>
      %dma_start3A_163 = tpu.memref_squeeze %dma_start3A_162 : memref<1x200x128xf32, #tpu.memory_space<vmem>> -> memref<200x128xf32, #tpu.memory_space<vmem>>
      %dma_start3A_164 = arith.constant 0 : i32
      %dma_start3A_165 = arith.constant 0 : i32
      %dma_start3A_166 = tpu.memref_slice %arg4[%add3A_158, %dma_start3A_164, %dma_start3A_165] : memref<4096x200x128xf32, #tpu.memory_space<hbm>> -> memref<1x200x128xf32, #tpu.memory_space<hbm>>
      %dma_start3A_167 = tpu.memref_squeeze %dma_start3A_166 : memref<1x200x128xf32, #tpu.memory_space<hbm>> -> memref<200x128xf32, #tpu.memory_space<hbm>>
      %dma_start3A_168 = arith.constant 0 : i32
      %dma_start3A_169 = arith.constant 0 : i32
      %dma_start3A_170 = tpu.memref_slice %arg4[%add3A_158, %dma_start3A_168, %dma_start3A_169] : memref<4096x200x128xf32, #tpu.memory_space<hbm>> -> memref<1x200x128xf32, #tpu.memory_space<hbm>>
      %dma_start3A_171 = tpu.memref_squeeze %dma_start3A_170 : memref<1x200x128xf32, #tpu.memory_space<hbm>> -> memref<200x128xf32, #tpu.memory_space<hbm>>
      %dma_start3A_172 = arith.constant 0 : i32
      %dma_start3A_173 = arith.constant 0 : i32
      %dma_start3A_174 = tpu.memref_slice %arg6[%dma_start3A_159, %dma_start3A_172, %dma_start3A_173] : memref<4x200x128xf32, #tpu.memory_space<vmem>> -> memref<1x200x128xf32, #tpu.memory_space<vmem>>
      %dma_start3A_175 = tpu.memref_squeeze %dma_start3A_174 : memref<1x200x128xf32, #tpu.memory_space<vmem>> -> memref<200x128xf32, #tpu.memory_space<vmem>>
      tpu.enqueue_dma source(%dma_start3A_175 : memref<200x128xf32, #tpu.memory_space<vmem>>) target(%dma_start3A_171 : memref<200x128xf32, #tpu.memory_space<hbm>>) target_semaphore(%arg13 : memref<!tpu.dma_semaphore, #tpu.memory_space<semaphore_mem>>)
      %gt3A_176 = arith.constant 0 : i32
      %gt3A_177 = arith.cmpi sgt, %add3A_146, %gt3A_176 : i32
      %convert_element_type3A_178 = arith.extui %gt3A_177 : i1 to i32
      %cond3A_179 = arith.constant 0 : i32
      %cond3A_180 = arith.cmpi ne, %convert_element_type3A_178, %cond3A_179 : i32
      scf.if %cond3A_180 {
        %sub3A_235 = arith.constant 1 : i32
        %sub3A_236 = arith.subi %add3A_146, %sub3A_235 : i32
        %add3A_237 = arith.addi %mul3A_2, %sub3A_236 : i32
        %dma_wait3A_238 = arith.constant 1 : i32
        %dma_wait3A_239 = arith.constant 0 : i32
        %dma_wait3A_240 = arith.constant 0 : i32
        %dma_wait3A_241 = tpu.memref_slice %arg6[%dma_wait3A_238, %dma_wait3A_239, %dma_wait3A_240] : memref<4x200x128xf32, #tpu.memory_space<vmem>> -> memref<1x200x128xf32, #tpu.memory_space<vmem>>
        %dma_wait3A_242 = tpu.memref_squeeze %dma_wait3A_241 : memref<1x200x128xf32, #tpu.memory_space<vmem>> -> memref<200x128xf32, #tpu.memory_space<vmem>>
        %dma_wait3A_243 = arith.constant 0 : i32
        %dma_wait3A_244 = arith.constant 0 : i32
        %dma_wait3A_245 = tpu.memref_slice %arg4[%add3A_237, %dma_wait3A_243, %dma_wait3A_244] : memref<4096x200x128xf32, #tpu.memory_space<hbm>> -> memref<1x200x128xf32, #tpu.memory_space<hbm>>
        %dma_wait3A_246 = tpu.memref_squeeze %dma_wait3A_245 : memref<1x200x128xf32, #tpu.memory_space<hbm>> -> memref<200x128xf32, #tpu.memory_space<hbm>>
        %dma_wait3A_247 = arith.constant 0 : i32
        %dma_wait3A_248 = arith.constant 0 : i32
        %dma_wait3A_249 = tpu.memref_slice %arg4[%add3A_237, %dma_wait3A_247, %dma_wait3A_248] : memref<4096x200x128xf32, #tpu.memory_space<hbm>> -> memref<1x200x128xf32, #tpu.memory_space<hbm>>
        %dma_wait3A_250 = tpu.memref_squeeze %dma_wait3A_249 : memref<1x200x128xf32, #tpu.memory_space<hbm>> -> memref<200x128xf32, #tpu.memory_space<hbm>>
        %dma_wait3A_251 = arith.constant 0 : i32
        %dma_wait3A_252 = arith.constant 0 : i32
        %dma_wait3A_253 = tpu.memref_slice %arg6[%dma_wait3A_238, %dma_wait3A_251, %dma_wait3A_252] : memref<4x200x128xf32, #tpu.memory_space<vmem>> -> memref<1x200x128xf32, #tpu.memory_space<vmem>>
        %dma_wait3A_254 = tpu.memref_squeeze %dma_wait3A_253 : memref<1x200x128xf32, #tpu.memory_space<vmem>> -> memref<200x128xf32, #tpu.memory_space<vmem>>
        tpu.wait_dma2 semaphore(%arg12 : memref<!tpu.dma_semaphore, #tpu.memory_space<semaphore_mem>>) src(%dma_wait3A_254 : memref<200x128xf32, #tpu.memory_space<vmem>>) dst(%dma_wait3A_250 : memref<200x128xf32, #tpu.memory_space<hbm>>)
      } else {
      }
      %add3A_181 = arith.constant 4 : i32
      %add3A_182 = arith.addi %add3A_146, %add3A_181 : i32
      %sub3A_183 = arith.constant 1 : i32
      %sub3A_184 = arith.subi %add3A_182, %sub3A_183 : i32
      %lt3A_185 = arith.constant 128 : i32
      %lt3A_186 = arith.cmpi slt, %sub3A_184, %lt3A_185 : i32
      %convert_element_type3A_187 = arith.extui %lt3A_186 : i1 to i32
      %cond3A_188 = arith.constant 0 : i32
      %cond3A_189 = arith.cmpi ne, %convert_element_type3A_187, %cond3A_188 : i32
      scf.if %cond3A_189 {
        %add3A_235 = arith.constant 4 : i32
        %add3A_236 = arith.addi %add3A_146, %add3A_235 : i32
        %sub3A_237 = arith.constant 1 : i32
        %sub3A_238 = arith.subi %add3A_236, %sub3A_237 : i32
        %mul3A_239 = arith.constant 200 : i32
        %mul3A_240 = arith.muli %sub3A_238, %mul3A_239 : i32
        %dma_start3A_241 = arith.constant 1 : i32
        %dma_start3A_242 = arith.constant 0 : i32
        %dma_start3A_243 = arith.constant 0 : i32
        %dma_start3A_244 = tpu.memref_slice %arg6[%dma_start3A_241, %dma_start3A_242, %dma_start3A_243] : memref<4x200x128xf32, #tpu.memory_space<vmem>> -> memref<1x200x128xf32, #tpu.memory_space<vmem>>
        %dma_start3A_245 = tpu.memref_squeeze %dma_start3A_244 : memref<1x200x128xf32, #tpu.memory_space<vmem>> -> memref<200x128xf32, #tpu.memory_space<vmem>>
        %dma_start3A_246 = tpu.memref_slice %arg5[%mul3A_240] : memref<25600xi32, #tpu.memory_space<vmem>> -> memref<200xi32, #tpu.memory_space<vmem>>
        %dma_start3A_247 = arith.constant 0 : i32
        %dma_start3A_248 = arith.constant 0 : i32
        %dma_start3A_249 = tpu.memref_slice %arg3[%dma_start3A_247, %dma_start3A_248] : memref<1000000x128xf32, #tpu.memory_space<hbm>> -> memref<1000000x128xf32, #tpu.memory_space<hbm>>
        tpu.enqueue_indirect_dma source(%dma_start3A_249 : memref<1000000x128xf32, #tpu.memory_space<hbm>>) target(%dma_start3A_245 : memref<200x128xf32, #tpu.memory_space<vmem>>) offsets(%dma_start3A_246 : memref<200xi32, #tpu.memory_space<vmem>>) semaphore(%arg8 : memref<!tpu.dma_semaphore, #tpu.memory_space<semaphore_mem>>)
      } else {
      }
      %add3A_190 = arith.constant 3 : i32
      %add3A_191 = arith.addi %mul3A_59, %add3A_190 : i32
      %mul3A_192 = arith.constant 200 : i32
      %mul3A_193 = arith.muli %add3A_191, %mul3A_192 : i32
      %dma_wait3A_194 = arith.constant 3 : i32
      %dma_wait3A_195 = arith.constant 0 : i32
      %dma_wait3A_196 = arith.constant 0 : i32
      %dma_wait3A_197 = tpu.memref_slice %arg6[%dma_wait3A_194, %dma_wait3A_195, %dma_wait3A_196] : memref<4x200x128xf32, #tpu.memory_space<vmem>> -> memref<1x200x128xf32, #tpu.memory_space<vmem>>
      %dma_wait3A_198 = tpu.memref_squeeze %dma_wait3A_197 : memref<1x200x128xf32, #tpu.memory_space<vmem>> -> memref<200x128xf32, #tpu.memory_space<vmem>>
      %dma_wait3A_199 = tpu.memref_slice %arg5[%mul3A_193] : memref<25600xi32, #tpu.memory_space<vmem>> -> memref<200xi32, #tpu.memory_space<vmem>>
      %dma_wait3A_200 = arith.constant 0 : i32
      %dma_wait3A_201 = arith.constant 0 : i32
      %dma_wait3A_202 = tpu.memref_slice %arg3[%dma_wait3A_200, %dma_wait3A_201] : memref<1000000x128xf32, #tpu.memory_space<hbm>> -> memref<1000000x128xf32, #tpu.memory_space<hbm>>
      tpu.wait_indirect_dma semaphore(%arg10 : memref<!tpu.dma_semaphore, #tpu.memory_space<semaphore_mem>>) src(%dma_wait3A_202 : memref<1000000x128xf32, #tpu.memory_space<hbm>>) dst(%dma_wait3A_198 : memref<200x128xf32, #tpu.memory_space<vmem>>)
      %add3A_203 = arith.addi %mul3A_2, %add3A_191 : i32
      %dma_start3A_204 = arith.constant 3 : i32
      %dma_start3A_205 = arith.constant 0 : i32
      %dma_start3A_206 = arith.constant 0 : i32
      %dma_start3A_207 = tpu.memref_slice %arg6[%dma_start3A_204, %dma_start3A_205, %dma_start3A_206] : memref<4x200x128xf32, #tpu.memory_space<vmem>> -> memref<1x200x128xf32, #tpu.memory_space<vmem>>
      %dma_start3A_208 = tpu.memref_squeeze %dma_start3A_207 : memref<1x200x128xf32, #tpu.memory_space<vmem>> -> memref<200x128xf32, #tpu.memory_space<vmem>>
      %dma_start3A_209 = arith.constant 0 : i32
      %dma_start3A_210 = arith.constant 0 : i32
      %dma_start3A_211 = tpu.memref_slice %arg4[%add3A_203, %dma_start3A_209, %dma_start3A_210] : memref<4096x200x128xf32, #tpu.memory_space<hbm>> -> memref<1x200x128xf32, #tpu.memory_space<hbm>>
      %dma_start3A_212 = tpu.memref_squeeze %dma_start3A_211 : memref<1x200x128xf32, #tpu.memory_space<hbm>> -> memref<200x128xf32, #tpu.memory_space<hbm>>
      %dma_start3A_213 = arith.constant 0 : i32
      %dma_start3A_214 = arith.constant 0 : i32
      %dma_start3A_215 = tpu.memref_slice %arg4[%add3A_203, %dma_start3A_213, %dma_start3A_214] : memref<4096x200x128xf32, #tpu.memory_space<hbm>> -> memref<1x200x128xf32, #tpu.memory_space<hbm>>
      %dma_start3A_216 = tpu.memref_squeeze %dma_start3A_215 : memref<1x200x128xf32, #tpu.memory_space<hbm>> -> memref<200x128xf32, #tpu.memory_space<hbm>>
      %dma_start3A_217 = arith.constant 0 : i32
      %dma_start3A_218 = arith.constant 0 : i32
      %dma_start3A_219 = tpu.memref_slice %arg6[%dma_start3A_204, %dma_start3A_217, %dma_start3A_218] : memref<4x200x128xf32, #tpu.memory_space<vmem>> -> memref<1x200x128xf32, #tpu.memory_space<vmem>>
      %dma_start3A_220 = tpu.memref_squeeze %dma_start3A_219 : memref<1x200x128xf32, #tpu.memory_space<vmem>> -> memref<200x128xf32, #tpu.memory_space<vmem>>
      tpu.enqueue_dma source(%dma_start3A_220 : memref<200x128xf32, #tpu.memory_space<vmem>>) target(%dma_start3A_216 : memref<200x128xf32, #tpu.memory_space<hbm>>) target_semaphore(%arg14 : memref<!tpu.dma_semaphore, #tpu.memory_space<semaphore_mem>>)
      %gt3A_221 = arith.constant 0 : i32
      %gt3A_222 = arith.cmpi sgt, %add3A_191, %gt3A_221 : i32
      %convert_element_type3A_223 = arith.extui %gt3A_222 : i1 to i32
      %cond3A_224 = arith.constant 0 : i32
      %cond3A_225 = arith.cmpi ne, %convert_element_type3A_223, %cond3A_224 : i32
      scf.if %cond3A_225 {
        %sub3A_235 = arith.constant 1 : i32
        %sub3A_236 = arith.subi %add3A_191, %sub3A_235 : i32
        %add3A_237 = arith.addi %mul3A_2, %sub3A_236 : i32
        %dma_wait3A_238 = arith.constant 2 : i32
        %dma_wait3A_239 = arith.constant 0 : i32
        %dma_wait3A_240 = arith.constant 0 : i32
        %dma_wait3A_241 = tpu.memref_slice %arg6[%dma_wait3A_238, %dma_wait3A_239, %dma_wait3A_240] : memref<4x200x128xf32, #tpu.memory_space<vmem>> -> memref<1x200x128xf32, #tpu.memory_space<vmem>>
        %dma_wait3A_242 = tpu.memref_squeeze %dma_wait3A_241 : memref<1x200x128xf32, #tpu.memory_space<vmem>> -> memref<200x128xf32, #tpu.memory_space<vmem>>
        %dma_wait3A_243 = arith.constant 0 : i32
        %dma_wait3A_244 = arith.constant 0 : i32
        %dma_wait3A_245 = tpu.memref_slice %arg4[%add3A_237, %dma_wait3A_243, %dma_wait3A_244] : memref<4096x200x128xf32, #tpu.memory_space<hbm>> -> memref<1x200x128xf32, #tpu.memory_space<hbm>>
        %dma_wait3A_246 = tpu.memref_squeeze %dma_wait3A_245 : memref<1x200x128xf32, #tpu.memory_space<hbm>> -> memref<200x128xf32, #tpu.memory_space<hbm>>
        %dma_wait3A_247 = arith.constant 0 : i32
        %dma_wait3A_248 = arith.constant 0 : i32
        %dma_wait3A_249 = tpu.memref_slice %arg4[%add3A_237, %dma_wait3A_247, %dma_wait3A_248] : memref<4096x200x128xf32, #tpu.memory_space<hbm>> -> memref<1x200x128xf32, #tpu.memory_space<hbm>>
        %dma_wait3A_250 = tpu.memref_squeeze %dma_wait3A_249 : memref<1x200x128xf32, #tpu.memory_space<hbm>> -> memref<200x128xf32, #tpu.memory_space<hbm>>
        %dma_wait3A_251 = arith.constant 0 : i32
        %dma_wait3A_252 = arith.constant 0 : i32
        %dma_wait3A_253 = tpu.memref_slice %arg6[%dma_wait3A_238, %dma_wait3A_251, %dma_wait3A_252] : memref<4x200x128xf32, #tpu.memory_space<vmem>> -> memref<1x200x128xf32, #tpu.memory_space<vmem>>
        %dma_wait3A_254 = tpu.memref_squeeze %dma_wait3A_253 : memref<1x200x128xf32, #tpu.memory_space<vmem>> -> memref<200x128xf32, #tpu.memory_space<vmem>>
        tpu.wait_dma2 semaphore(%arg13 : memref<!tpu.dma_semaphore, #tpu.memory_space<semaphore_mem>>) src(%dma_wait3A_254 : memref<200x128xf32, #tpu.memory_space<vmem>>) dst(%dma_wait3A_250 : memref<200x128xf32, #tpu.memory_space<hbm>>)
      } else {
      }
      %add3A_226 = arith.constant 4 : i32
      %add3A_227 = arith.addi %add3A_191, %add3A_226 : i32
      %sub3A_228 = arith.constant 1 : i32
      %sub3A_229 = arith.subi %add3A_227, %sub3A_228 : i32
      %lt3A_230 = arith.constant 128 : i32
      %lt3A_231 = arith.cmpi slt, %sub3A_229, %lt3A_230 : i32
      %convert_element_type3A_232 = arith.extui %lt3A_231 : i1 to i32
      %cond3A_233 = arith.constant 0 : i32
      %cond3A_234 = arith.cmpi ne, %convert_element_type3A_232, %cond3A_233 : i32
      scf.if %cond3A_234 {
        %add3A_235 = arith.constant 4 : i32
        %add3A_236 = arith.addi %add3A_191, %add3A_235 : i32
        %sub3A_237 = arith.constant 1 : i32
        %sub3A_238 = arith.subi %add3A_236, %sub3A_237 : i32
        %mul3A_239 = arith.constant 200 : i32
        %mul3A_240 = arith.muli %sub3A_238, %mul3A_239 : i32
        %dma_start3A_241 = arith.constant 2 : i32
        %dma_start3A_242 = arith.constant 0 : i32
        %dma_start3A_243 = arith.constant 0 : i32
        %dma_start3A_244 = tpu.memref_slice %arg6[%dma_start3A_241, %dma_start3A_242, %dma_start3A_243] : memref<4x200x128xf32, #tpu.memory_space<vmem>> -> memref<1x200x128xf32, #tpu.memory_space<vmem>>
        %dma_start3A_245 = tpu.memref_squeeze %dma_start3A_244 : memref<1x200x128xf32, #tpu.memory_space<vmem>> -> memref<200x128xf32, #tpu.memory_space<vmem>>
        %dma_start3A_246 = tpu.memref_slice %arg5[%mul3A_240] : memref<25600xi32, #tpu.memory_space<vmem>> -> memref<200xi32, #tpu.memory_space<vmem>>
        %dma_start3A_247 = arith.constant 0 : i32
        %dma_start3A_248 = arith.constant 0 : i32
        %dma_start3A_249 = tpu.memref_slice %arg3[%dma_start3A_247, %dma_start3A_248] : memref<1000000x128xf32, #tpu.memory_space<hbm>> -> memref<1000000x128xf32, #tpu.memory_space<hbm>>
        tpu.enqueue_indirect_dma source(%dma_start3A_249 : memref<1000000x128xf32, #tpu.memory_space<hbm>>) target(%dma_start3A_245 : memref<200x128xf32, #tpu.memory_space<vmem>>) offsets(%dma_start3A_246 : memref<200xi32, #tpu.memory_space<vmem>>) semaphore(%arg9 : memref<!tpu.dma_semaphore, #tpu.memory_space<semaphore_mem>>)
      } else {
      }
    }
    %scan3A_38 = arith.constant 32 : i32
    %add3A_39 = arith.constant 127 : i32
    %add3A_40 = arith.addi %mul3A_2, %add3A_39 : i32
    %dma_wait3A = arith.constant 3 : i32
    %dma_wait3A_41 = arith.constant 0 : i32
    %dma_wait3A_42 = arith.constant 0 : i32
    %dma_wait3A_43 = tpu.memref_slice %arg6[%dma_wait3A, %dma_wait3A_41, %dma_wait3A_42] : memref<4x200x128xf32, #tpu.memory_space<vmem>> -> memref<1x200x128xf32, #tpu.memory_space<vmem>>
    %dma_wait3A_44 = tpu.memref_squeeze %dma_wait3A_43 : memref<1x200x128xf32, #tpu.memory_space<vmem>> -> memref<200x128xf32, #tpu.memory_space<vmem>>
    %dma_wait3A_45 = arith.constant 0 : i32
    %dma_wait3A_46 = arith.constant 0 : i32
    %dma_wait3A_47 = tpu.memref_slice %arg4[%add3A_40, %dma_wait3A_45, %dma_wait3A_46] : memref<4096x200x128xf32, #tpu.memory_space<hbm>> -> memref<1x200x128xf32, #tpu.memory_space<hbm>>
    %dma_wait3A_48 = tpu.memref_squeeze %dma_wait3A_47 : memref<1x200x128xf32, #tpu.memory_space<hbm>> -> memref<200x128xf32, #tpu.memory_space<hbm>>
    %dma_wait3A_49 = arith.constant 0 : i32
    %dma_wait3A_50 = arith.constant 0 : i32
    %dma_wait3A_51 = tpu.memref_slice %arg4[%add3A_40, %dma_wait3A_49, %dma_wait3A_50] : memref<4096x200x128xf32, #tpu.memory_space<hbm>> -> memref<1x200x128xf32, #tpu.memory_space<hbm>>
    %dma_wait3A_52 = tpu.memref_squeeze %dma_wait3A_51 : memref<1x200x128xf32, #tpu.memory_space<hbm>> -> memref<200x128xf32, #tpu.memory_space<hbm>>
    %dma_wait3A_53 = arith.constant 0 : i32
    %dma_wait3A_54 = arith.constant 0 : i32
    %dma_wait3A_55 = tpu.memref_slice %arg6[%dma_wait3A, %dma_wait3A_53, %dma_wait3A_54] : memref<4x200x128xf32, #tpu.memory_space<vmem>> -> memref<1x200x128xf32, #tpu.memory_space<vmem>>
    %dma_wait3A_56 = tpu.memref_squeeze %dma_wait3A_55 : memref<1x200x128xf32, #tpu.memory_space<vmem>> -> memref<200x128xf32, #tpu.memory_space<vmem>>
    tpu.wait_dma2 semaphore(%arg14 : memref<!tpu.dma_semaphore, #tpu.memory_space<semaphore_mem>>) src(%dma_wait3A_56 : memref<200x128xf32, #tpu.memory_space<vmem>>) dst(%dma_wait3A_52 : memref<200x128xf32, #tpu.memory_space<hbm>>)
    return
  }
}

</mosaic_0001>

<sc_bundles>
// kernel: kernel.3.cloned.1.call-start
scs
__scs_entry_jumppad:
0x0: {  	(pc) =	sbr.rel $0x88, $3  }
0x1: {  	(tag) =	ssettag $0x0;
	lr =	simm.s32 $0x1  }
0x2: {  	[smem:$0x3F9E] =	sst lr;
	_ =	strace $0xD0000000  }
0x3: {  	_ = 	snop  }
0x4: {  	_ = 	snop  }
0x5: {  	_ = 	snop  }
0x6: {  	_ = 	snop  }
0x7: {  	_ = 	snop  }
__scs_overlays_trampoline_lowered:
0x8: {  	[smem:$0x3FAD] =	sst s0  }
0x9: {  	[smem:$0x3FAE] =	sst s1  }
0xa: {  	[smem:$0x3FAF] =	sst s2  }
0xb: {  	[smem:$0x3FB0] =	sst s3  }
0xc: {  	[smem:$0x3FB1] =	sst s4  }
0xd: {  	[smem:$0x3FB2] =	sst s5  }
0xe: {  	[smem:$0x3FB3] =	sst s6  }
0xf: {  	[smem:$0x3FB4] =	sst s7  }
0x10: {  	[smem:$0x3FB5] =	sst s8  }
0x11: {  	[smem:$0x3FB6] =	sst s9;
	s0 =	simm.s32 @!p0 $0x0  }
0x12: {  	s1 =	sld [smem:$0x3F9C];
	s0 =	simm.s32 @p0 $0x1  }
0x13: {  	[smem:$0x3FB7] =	sst s0;
	s0 =	simm.s32 @!p1 $0x0  }
0x14: {  	s2 =	sld [smem:$0x3F9B];
	s0 =	simm.s32 @p1 $0x1  }
0x15: {  	[smem:$0x3FB8] =	sst s0;
	s0 =	simm.s32 @!p2 $0x0  }
0x16: {  	s3 =	sld [smem:$0x3FDB];
	s0 =	simm.s32 @p2 $0x1  }
0x17: {  	s4 =	simm.s32 $0x1BF5;
	[smem:$0x3FBA] =	sst s0  }
0x18: {  	s0 =	sld [smem:$0x3F9D];
	_ =	swait.ge [sflag:s4], $0x0  }
0x19: {  	s7 =	sld [smem:$0x3F9E]  }
0x1a: {  	s8 =	sadd.s32 $0xFFFFE003, lr  }
0x1b: {  	s9 =	sadd.s32 $0xFFFFFEF7, lr;
	s5 =	simm.s32 $0xFFFFFFFF;
	p2 =	slt.u32 s8, $0xFFFFF086  }
0x1c: {  	p1 =	slt.u32 s9, $0xF7A;
	s5 =	simm.s32 @!p2 $0x0  }
0x1d: {  	s5 =	simm.s32 @p1 $0x1;
	p0 =	seq.s32 s7, s2  }
0x1e: {  	s7 =	smul.u32 @!p0 $0xF7A, s2;
	p2 =	seq.s32 @!p0 s5, $0x0  }
0x1f: {  	s9 =	smul.u32 $0xF7A, s1;
	s8 =	simm.s32 @!p0 $0x1BF5;
	p2 =	por !p2, p0  }
0x20: {  	[sflag:s8] =	ssyncset.s32 @!p0 $0xFFFFF086;
	s6 =	sadd.s32 @!p0 s3, s7;
	s7 =	simm.s32 @!p0 $0x108  }
0x21: {  	s3 =	sadd.s32 s3, s9;
	s6 =	sadd.s32 @!p0 $0x88, s6;
	s7 =	simm.s32 @p2 $0x1082  }
0x22: {  	[simem:s7], [sflag:s8] =	dma.local @!p0 [hbm:s6], $0xF7A  }
0x23: {  	s9 =	sor.u32 $0xD0000000, s2;
	s6 =	simm.s32 $0x108;
	_ =	swait.ge @!p0 [sflag:s8], $0x0  }
0x24: {  	s3 =	sadd.s32 $0x88, s3;
	s6 =	simm.s32 @!p1 $0x1082;
	[sflag:s4] =	ssyncset.s32 $0xFFFFF086  }
0x25: {  	[simem:s6], [sflag:s4] =	dma.local [hbm:s3], $0xF7A  }
0x26: {  	[smem:$0x3F9E] =	sst s1;
	(tag) =	ssettag s2;
	_ =	strace s9  }
0x27: {  	s1 =	sld [smem:$0x3FAE]  }
0x28: {  	s2 =	sld [smem:$0x3FAF]  }
0x29: {  	s4 =	sld [smem:$0x3FB1]  }
0x2a: {  	p0 =	seq.s32 s5, $0x0;
	s5 =	sld [smem:$0x3FB2]  }
0x2b: {  	s6 =	sld [smem:$0x3FB3]  }
0x2c: {  	s7 =	sld [smem:$0x3FB4]  }
0x2d: {  	s3 =	simm.s32 $0x108;
	s8 =	sld [smem:$0x3FB5]  }
0x2e: {  	s3 =	simm.s32 @!p0 $0x1082;
	s9 =	sld [smem:$0x3FB6]  }
0x2f: {  	lr =	sadd.s32 s0, s3;
	s0 =	sld [smem:$0x3FAD]  }
0x30: {  	s3 =	sld [smem:$0x3FB0]  }
0x31: {  	[smem:$0x3FB9] =	sst s10  }
0x32: {  	s10 =	sld [smem:$0x3FB7];
	_ =	sdelay $0x3  }
0x33: {  	p0 =	seq.s32 s10, $0x1;
	s10 =	sld [smem:$0x3FB9];
	_ =	sdelay $0x3  }
0x34: {  	[smem:$0x3FB9] =	sst s10  }
0x35: {  	s10 =	sld [smem:$0x3FB8];
	_ =	sdelay $0x3  }
0x36: {  	p1 =	seq.s32 s10, $0x1;
	s10 =	sld [smem:$0x3FB9];
	_ =	sdelay $0x3  }
0x37: {  	[smem:$0x3FB9] =	sst s10  }
0x38: {  	s10 =	sld [smem:$0x3FBA]  }
0x39: {  	_ = 	snop;
	(pc) =	sbr.ind lr, $3  }
0x3a: {  	_ = 	snop  }
0x3b: {  	_ = 	snop  }
0x3c: {  	p2 =	seq.s32 s10, $0x1;
	s10 =	sld [smem:$0x3FB9]  }
0x3d: {  	_ =	shalt  }
0x3e: {  	_ =	shalt  }
0x3f: {  	_ =	shalt  }
0x40: {  	_ =	shalt  }
0x41: {  	_ =	shalt  }
0x42: {  	_ =	shalt  }
0x43: {  	_ =	shalt  }
0x44: {  	_ =	shalt  }
0x45: {  	_ =	shalt  }
0x46: {  	_ =	shalt  }
0x47: {  	_ =	shalt  }
0x48: {  	_ =	shalt  }
0x49: {  	_ =	shalt  }
0x4a: {  	_ =	shalt  }
0x4b: {  	_ =	shalt  }
0x4c: {  	_ =	shalt  }
0x4d: {  	_ =	shalt  }
0x4e: {  	_ =	shalt  }
0x4f: {  	_ =	shalt  }
0x50: {  	_ =	shalt  }
0x51: {  	_ =	shalt  }
0x52: {  	_ =	shalt  }
0x53: {  	_ =	shalt  }
0x54: {  	_ =	shalt  }
0x55: {  	_ =	shalt  }
0x56: {  	_ =	shalt  }
0x57: {  	_ =	shalt  }
0x58: {  	_ =	shalt  }
0x59: {  	_ =	shalt  }
0x5a: {  	_ =	shalt  }
0x5b: {  	_ =	shalt  }
0x5c: {  	_ =	shalt  }
0x5d: {  	_ =	shalt  }
0x5e: {  	_ =	shalt  }
0x5f: {  	_ =	shalt  }
0x60: {  	_ =	shalt  }
0x61: {  	_ =	shalt  }
0x62: {  	_ =	shalt  }
0x63: {  	_ =	shalt  }
0x64: {  	_ =	shalt  }
0x65: {  	_ =	shalt  }
0x66: {  	_ =	shalt  }
0x67: {  	_ =	shalt  }
0x68: {  	_ =	shalt  }
0x69: {  	_ =	shalt  }
0x6a: {  	_ =	shalt  }
0x6b: {  	_ =	shalt  }
0x6c: {  	_ =	shalt  }
0x6d: {  	_ =	shalt  }
0x6e: {  	_ =	shalt  }
0x6f: {  	_ =	shalt  }
0x70: {  	_ =	shalt  }
0x71: {  	_ =	shalt  }
0x72: {  	_ =	shalt  }
0x73: {  	_ =	shalt  }
0x74: {  	_ =	shalt  }
0x75: {  	_ =	shalt  }
0x76: {  	_ =	shalt  }
0x77: {  	_ =	shalt  }
0x78: {  	_ =	shalt  }
0x79: {  	_ =	shalt  }
0x7a: {  	_ =	shalt  }
0x7b: {  	_ =	shalt  }
0x7c: {  	_ =	shalt  }
0x7d: {  	_ =	shalt  }
0x7e: {  	_ =	shalt  }
0x7f: {  	_ =	shalt  }
0x80: {  	_ =	shalt  }
0x81: {  	_ =	shalt  }
0x82: {  	_ =	shalt  }
0x83: {  	_ =	shalt  }
0x84: {  	_ =	shalt  }
0x85: {  	_ =	shalt  }
0x86: {  	_ =	shalt  }
0x87: {  	_ =	shalt  }
.Lfunc_end0:
.L_simem_size_0:
called_computation.1_lowered:
.L_overlay_start_0:
0x88: {  	s2 =	sld [smem:$0x3FD9]  }
0x89: {  	s3 =	sld [smem:$0x3FFE];
	_ =	sdelay $0x1  }
0x8a: {  	s1 =	srdreg.scid  }
0x8b: {  	s0 =	sand.u32 $0x1, s1  }
0x8c: {  	s14 =	sshll.u32 s0, $0xA;
	s2 =	sadd.s32 s3, s2  }
0x8d: {  	s2 =	sadd.s32 s2, s14  }
0x8e: {  	[smem:$0x3FC5] =	sst s2  }
0x8f: {  	_ = 	snop  }
0x90: {  	s2 =	sld [smem:$0x3FD0];
	_ =	sdelay $0x2  }
0x91: {  	s15 =	simm.s32 $0xA;
	s4 =	simm.s32 $0x10  }
0x92: {  	[smem:s4], [sflag:s15] =	dma.local [hbm:s2], $0x1  }
0x93: {  	_ =	swait.eq [sflag:s15], $0x1  }
0x94: {  	[sflag:s15] =	ssyncset.done $0x0  }
0x95: {  	[sflag:s15] =	ssyncadd.s32 $0xFFFFFFFF  }
0x96: {  	s16 =	sld [smem:$0x11];
	(tm) =	ssettm $0x1  }
0x97: {  	s17 =	sld [smem:$0x3FFB];
	_ =	sdelay $0x3  }
0x98: {  	_ =	strace s17  }
0x99: {  	s3 =	sld [smem:$0x3FFC];
	_ =	sdelay $0x3  }
0x9a: {  	_ =	strace s3  }
0x9b: {  	s3 =	sld [smem:$0x3FFD];
	_ =	sdelay $0x3  }
0x9c: {  	_ =	strace s3  }
0x9d: {  	_ =	strace $0x8FFFFFFF  }
0x9e: {  	s18 =	sld [smem:$0x3FDB];
	_ =	sdelay $0x1  }
0x9f: {  	s19 =	simm.s32 $_scs_section_size  }
0xa0: {  	s5 =	simm.s32 $_size__tile_overlayer_lowered;
	s6 =	simm.s32 $_tile_overlayer_lowered  }
0xa1: {  	s22 =	simm.s32 $0x1BFF;
	s21 =	sshll.u32 s6, $0x1;
	s3 =	sadd.s32 s19, s18  }
0xa2: {  	s7 =	simm.s32 $0x0;
	s20 =	sshll.u32 s5, $0x1;
	s5 =	sadd.s32 s21, s3  }
0xa3: {  	[timem:s7], [sflag:s22] =	dma.local [hbm:s5], s20  }
0xa4: {  	_ =	swait.ge [sflag:s22], s20  }
0xa5: {  	s4 =	ssub.s32 $0x0, s20;
	[sflag:s22] =	ssyncset.done $0x0  }
0xa6: {  	[sflag:s22] =	ssyncadd.s32 s4;
	_ =	sdelay $0x1  }
0xa7: {  	s23 =	simm.s32 $0x1B8B  }
0xa8: {  	_ =	swait.ge [sflag:s23], $0x1  }
0xa9: {  	[sflag:s23] =	ssyncset.done $0x0  }
0xaa: {  	s25 =	simm.s32 $0x1B8E;
	s24 =	sld [smem:$0x3FFE];
	[sflag:s23] =	ssyncadd.s32 $0xFFFFFFFF  }
0xab: {  	s26 =	simm.s32 $execute0_lowered;
	[smem:$0x3FD2] =	sst s25  }
0xac: {  	s5 =	sshll.u32 s26, $0x1;
	_ =	strace $0x80000046;
	[dreg:$0x1] =	wrdreg $0xFFFFFFFF  }
0xad: {  	s28 =	simm.s32 $_size_execute0_lowered;
	s3 =	sadd.s32 s3, s5;
	[dreg:$0x0] =	wrdreg $0x0  }
0xae: {  	s5 =	sshll.u32 s28, $0x1;
	[dreg:$0x2] =	wrdreg s3  }
0xaf: {  	[dreg:$0x3] =	wrdreg s5  }
0xb0: {  	[dreg:$0x4] =	wrdreg $0xC0  }
0xb1: {  	_ =	task [dreg:s7], $0x5FFFF  }
0xb2: {  	[dreg:$0x1] =	wrdreg $0xFFFFFFFF  }
0xb3: {  	[dreg:$0x0] =	wrdreg $0x60  }
0xb4: {  	[dreg:$0x2] =	wrdreg s16  }
0xb5: {  	[dreg:$0x3] =	wrdreg s24  }
0xb6: {  	[dreg:$0x4] =	wrdreg $0x9  }
0xb7: {  	_ =	task.clear_ibuf [dreg:s7], $0x5FFFF;
	_ =	strace $0x90000046  }
0xb8: {  	s29 =	simm.s32 $0x9;
	_ =	strace $0x80000048  }
0xb9: {  	_ =	swait.ge [sflag:s29], $0x1  }
0xba: {  	[sflag:s29] =	ssyncadd.s32 $0xFFFFFFFF  }
0xbb: {  	_ =	strace $0x90000048  }
0xbc: {  	_ =	sfence  }
0xbd: {  	s30 =	sld [smem:$0x0];
	_ =	sdelay $0x2  }
0xbe: {  	s31 =	sshll.u32 s1, $0xD;
	s1 =	sshrl.u32 s1, $0x2  }
0xbf: {  	s3 =	sand.u32 $0x4000, s31;
	s1 =	sadd.s32 s1, s30  }
0xc0: {  	s0 =	sor.u32 s3, s0;
	s1 =	sshll.u32 s1, $0x11  }
0xc1: {  	s0 =	sor.u32 s1, s0  }
0xc2: {  	s0 =	sadd.s32 $0x8F2B, s0  }
0xc3: {  	[sflag:s0] =	ssyncadd.remote.s32 $0x1  }
0xc4: {  	_ =	sfence.sel $0xFFFF  }
0xc5: {  	[dreg:$0x0] =	wrdreg $0xFFFFFFFF;
	(pc) =	sbr.abs _section_cstart, $3  }
0xc6: {  	[dreg:$0x1] =	wrdreg $0xFFFFFFFF  }
0xc7: {  	_ =	task.clear_ibuf [dreg:s7], $0x2FFFF;
	_ =	strace $0x9FFFFFFF  }
0xc8: {  	(tm) =	ssettm $0x7FFFFFFF  }
0xc9: {  	_ =	shalt  }
tec
execute0_lowered:
.L_overlay_start_1:
0x0: {  	(tag) =	ssettag $0x1  }
0x1: {  	s0 =	rddreg [dreg:$0x0]  }
0x2: {  	s1 =	rddreg [dreg:$0x1]  }
0x3: {  	s3 =	srdreg.scid;
	s10 =	stileid.u32;
	s2 =	simm.s32 $0x0  }
0x4: {  	s11 =	simm.s32 $0x9;
	s12 =	simm.s32 $0xC8;
	s13 =	simm.s32 $0x6400  }
0x5: {  	s14 =	simm.s32 $0xC800;
	s16 =	simm.s32 $0x12C00;
	s17 =	simm.s32 $0x1  }
0x6: {  	s19 =	simm.s32 $0x19000;
	s20 =	simm.s32 $0x2;
	s21 =	simm.s32 $0x5  }
0x7: {  	s23 =	simm.s32 $0x3;
	s24 =	simm.s32 $0x6;
	s28 =	simm.s32 $0x7  }
0x8: {  	s30 =	simm.s32 $0x8;
	s6 =	sand.u32 $0x1, s3;
	s26 =	sshll.u32 s10, $0x1  }
0x9: {  	s31 =	simm.s32 $0x0;
	s10 =	smul.u32 $0xC8000, s10;
	s4 =	sor.u32 s6, s26  }
0xa: {  	[smem:$0x7FF] =	sst s2;
	s3 =	sadd.s32 $0xC00, s1;
	s7 =	smul.u32 $0xC80, s4  }
0xb: {  	s1 =	sadd.s32 $0xF43000, s1;
	s5 =	ssub.s32 $0x2, s6;
	s9 =	smul.u32 $0x64000, s4  }
.Ltmp0:
0xc: {  	_ =	strace $0x80000047;
	s8 =	sshrl.u32 s5, $0x1;
	(pc) =	sbr.rel .LBB2_1-.Ltmp0, $4  }
0xd: {  	s29 =	smul.u32 $0x64000, s6;
	s26 =	simm.s32 $0x4;
	s8 =	ssub.s32 s5, s8  }
0xe: {  	s4 =	sadd.s32 s0, s7;
	s5 =	sadd.s32 s1, s9;
	s1 =	sadd.s32 s10, s1  }
0xf: {  	s6 =	smax.u32 s8, $0x1;
	s7 =	sadd.s32 $0xC80, s5;
	s0 =	sadd.s32 s29, s1  }
0x10: {  	s8 =	sadd.s32 $0x1900, s5;
	s9 =	sadd.s32 $0x2580, s5;
	s0 =	sadd.s32 $0x3200, s0  }
.LBB2_4:
0x11: {  	s31 =	sadd.s32 $0x1, s31  }
0x12: {  	p0 =	sne.s32 s31, s6  }
.Ltmp1:
0x13: {  	_ = 	snop;
	(pc) =	sbr.rel @!p0 .LBB2_5-.Ltmp1, $4  }
0x14: {  	_ = 	snop  }
0x15: {  	_ =	swait.ge [sflag:s30], $0x6400  }
0x16: {  	[sflag:s30] =	ssyncset.done $0x0  }
0x17: {  	[sflag:s30] =	ssyncadd.s32 $0xFFFF9C00  }
.LBB2_1:
0x18: {  	[tilespmem:s2], [sflag:$0x9] =	stream.linear.gather [hbm4b:s4+s2], $0x6400, $0x38;
	[tilespmem:$0x1F400] =	vst v63  }
0x19: {  	_ =	swait.ge [sflag:s11], $0x6400  }
0x1a: {  	[sflag:s11] =	ssyncset.done $0x0  }
0x1b: {  	[sflag:s11] =	ssyncadd.s32 $0xFFFF9C00  }
0x1c: {  	[tilespmem:s13], [sflag:$0x1] =	stream.indirect.gather [hbm4b:s3+s12], $0x80, s2, s12, $0xb8;
	[tilespmem:$0x1F400] =	vst v63  }
0x1d: {  	_ = 	snop  }
0x1e: {  	[tilespmem:s14], [sflag:$0x2] =	stream.indirect.gather [hbm4b:s3+s12], $0x80, s12, s12, $0xb8;
	[tilespmem:$0x1F400] =	vst v63  }
0x1f: {  	s1 =	simm.s32 $0x190  }
0x20: {  	[tilespmem:s16], [sflag:$0x3] =	stream.indirect.gather [hbm4b:s3+s12], $0x80, s1, s12, $0xb8;
	[tilespmem:$0x1F400] =	vst v63  }
0x21: {  	_ =	swait.ge [sflag:s17], $0x6400  }
0x22: {  	[sflag:s17] =	ssyncset.done $0x0  }
0x23: {  	[sflag:s17] =	ssyncadd.s32 $0xFFFF9C00  }
0x24: {  	[hbm4b:s5+s2] =	stream.linear.scatter [tilespmem:s13], [sflag:$0x5], $0x6400, $0x38;
	[tilespmem:$0x1F400] =	vst v63  }
0x25: {  	s18 =	simm.s32 $0x258  }
0x26: {  	[tilespmem:s19], [sflag:$0x4] =	stream.indirect.gather [hbm4b:s3+s12], $0x80, s18, s12, $0xb8;
	[tilespmem:$0x1F400] =	vst v63  }
0x27: {  	_ =	swait.ge [sflag:s20], $0x6400  }
0x28: {  	[sflag:s20] =	ssyncset.done $0x0  }
0x29: {  	[sflag:s20] =	ssyncadd.s32 $0xFFFF9C00  }
0x2a: {  	[hbm4b:s7+s2] =	stream.linear.scatter [tilespmem:s14], [sflag:$0x6], $0x6400, $0x38;
	[tilespmem:$0x1F400] =	vst v63  }
0x2b: {  	_ =	swait.ge [sflag:s21], $0x6400  }
0x2c: {  	[sflag:s21] =	ssyncset.done $0x0  }
0x2d: {  	s22 =	simm.s32 $0x320;
	[sflag:s21] =	ssyncadd.s32 $0xFFFF9C00  }
0x2e: {  	[tilespmem:s13], [sflag:$0x1] =	stream.indirect.gather [hbm4b:s3+s12], $0x80, s22, s12, $0xb8;
	[tilespmem:$0x1F400] =	vst v63  }
0x2f: {  	_ =	swait.ge [sflag:s23], $0x6400  }
0x30: {  	[sflag:s23] =	ssyncset.done $0x0  }
0x31: {  	[sflag:s23] =	ssyncadd.s32 $0xFFFF9C00  }
0x32: {  	[hbm4b:s8+s2] =	stream.linear.scatter [tilespmem:s16], [sflag:$0x7], $0x6400, $0x38;
	[tilespmem:$0x1F400] =	vst v63  }
0x33: {  	_ =	swait.ge [sflag:s24], $0x6400  }
0x34: {  	[sflag:s24] =	ssyncset.done $0x0  }
0x35: {  	s25 =	simm.s32 $0x3E8;
	[sflag:s24] =	ssyncadd.s32 $0xFFFF9C00  }
0x36: {  	[tilespmem:s14], [sflag:$0x2] =	stream.indirect.gather [hbm4b:s3+s12], $0x80, s25, s12, $0xb8;
	[tilespmem:$0x1F400] =	vst v63  }
0x37: {  	_ =	swait.ge [sflag:s26], $0x6400  }
0x38: {  	[sflag:s26] =	ssyncset.done $0x0  }
0x39: {  	[sflag:s26] =	ssyncadd.s32 $0xFFFF9C00  }
0x3a: {  	[hbm4b:s9+s2] =	stream.linear.scatter [tilespmem:s19], [sflag:$0x8], $0x6400, $0x38;
	[tilespmem:$0x1F400] =	vst v63  }
0x3b: {  	_ =	swait.ge [sflag:s28], $0x6400  }
0x3c: {  	s29 =	simm.s32 $0x4B0;
	[sflag:s28] =	ssyncset.done $0x0  }
0x3d: {  	s10 =	smov.u32 s0;
	s1 =	simm.s32 $0x0;
	[sflag:s28] =	ssyncadd.s32 $0xFFFF9C00  }
0x3e: {  	[tilespmem:s16], [sflag:$0x3] =	stream.indirect.gather [hbm4b:s3+s12], $0x80, s29, s12, $0xb8;
	[tilespmem:$0x1F400] =	vst v63  }
.LBB2_2:
0x3f: {  	_ =	swait.ge [sflag:s17], $0x6400  }
0x40: {  	[sflag:s17] =	ssyncset.done $0x0  }
0x41: {  	[sflag:s17] =	ssyncadd.s32 $0xFFFF9C00  }
0x42: {  	[hbm4b:s10+s2] =	stream.linear.scatter [tilespmem:s13], [sflag:$0x5], $0x6400, $0x38;
	[tilespmem:$0x1F400] =	vst v63  }
0x43: {  	_ =	swait.ge [sflag:s30], $0x6400  }
0x44: {  	s15 =	sshra.s32 s1, $0x2;
	[sflag:s30] =	ssyncset.done $0x0  }
0x45: {  	s18 =	sadd.s32 $0x578, s15;
	[sflag:s30] =	ssyncadd.s32 $0xFFFF9C00  }
0x46: {  	[tilespmem:s19], [sflag:$0x4] =	stream.indirect.gather [hbm4b:s3+s12], $0x80, s18, s12, $0xb8;
	[tilespmem:$0x1F400] =	vst v63  }
0x47: {  	_ =	swait.ge [sflag:s20], $0x6400  }
0x48: {  	[sflag:s20] =	ssyncset.done $0x0  }
0x49: {  	s25 =	sadd.s32 $0xC80, s10;
	[sflag:s20] =	ssyncadd.s32 $0xFFFF9C00  }
0x4a: {  	[hbm4b:s25+s2] =	stream.linear.scatter [tilespmem:s14], [sflag:$0x6], $0x6400, $0x38;
	[tilespmem:$0x1F400] =	vst v63  }
0x4b: {  	p0 =	seq.s32 s1, $0x17700;
	_ =	swait.ge [sflag:s21], $0x6400  }
0x4c: {  	s29 =	simm.s32 @!p0 $0x6400;
	s18 =	sshra.s32 @!p0 s1, $0x2;
	[sflag:s21] =	ssyncset.done $0x0  }
0x4d: {  	s22 =	sadd.s32 @!p0 $0x640, s18;
	s25 =	simm.s32 @!p0 $0xC8;
	[sflag:s21] =	ssyncadd.s32 $0xFFFF9C00  }
0x4e: {  	[tilespmem:s29], [sflag:$0x1] =	stream.indirect.gather @!p0 [hbm4b:s3+s25], $0x80, s22, s25, $0xb8;
	[tilespmem:$0x1F400] =	vst v63  }
0x4f: {  	_ =	swait.ge [sflag:s23], $0x6400  }
0x50: {  	[sflag:s23] =	ssyncset.done $0x0  }
0x51: {  	s29 =	sadd.s32 $0x1900, s10;
	[sflag:s23] =	ssyncadd.s32 $0xFFFF9C00  }
0x52: {  	[hbm4b:s29+s2] =	stream.linear.scatter [tilespmem:s16], [sflag:$0x7], $0x6400, $0x38;
	[tilespmem:$0x1F400] =	vst v63  }
0x53: {  	_ =	swait.ge [sflag:s24], $0x6400  }
0x54: {  	[sflag:s24] =	ssyncset.done $0x0  }
0x55: {  	s18 =	sadd.s32 @!p0 $0x708, s18;
	s22 =	simm.s32 @!p0 $0xC800;
	[sflag:s24] =	ssyncadd.s32 $0xFFFF9C00  }
0x56: {  	[tilespmem:s22], [sflag:$0x2] =	stream.indirect.gather @!p0 [hbm4b:s3+s25], $0x80, s18, s25, $0xb8;
	[tilespmem:$0x1F400] =	vst v63  }
0x57: {  	_ =	swait.ge [sflag:s26], $0x6400  }
0x58: {  	[sflag:s26] =	ssyncset.done $0x0  }
.Ltmp2:
0x59: {  	s29 =	sadd.s32 $0x2580, s10;
	[sflag:s26] =	ssyncadd.s32 $0xFFFF9C00;
	(pc) =	sbr.rel @p0 .LBB2_4-.Ltmp2, $4  }
0x5a: {  	[hbm4b:s29+s2] =	stream.linear.scatter [tilespmem:s19], [sflag:$0x8], $0x6400, $0x38;
	[tilespmem:$0x1F400] =	vst v63  }
0x5b: {  	_ =	swait.ge [sflag:s28], $0x6400  }
0x5c: {  	[sflag:s28] =	ssyncset.done $0x0  }
0x5d: {  	[sflag:s28] =	ssyncadd.s32 $0xFFFF9C00  }
.Ltmp3:
0x5e: {  	(pc) =	sbr.rel .LBB2_2-.Ltmp3, $3  }
0x5f: {  	_ =	sdelay $0x1  }
0x60: {  	s15 =	sadd.s32 $0x7D0, s15;
	s1 =	sadd.s32 $0xC80, s1;
	s10 =	sadd.s32 $0x3200, s10  }
0x61: {  	[tilespmem:s16], [sflag:$0x3] =	stream.indirect.gather [hbm4b:s3+s12], $0x80, s15, s12, $0xb8;
	[tilespmem:$0x1F400] =	vst v63  }
.LBB2_5:
0x62: {  	_ =	sfence.sel $0x180000  }
0x63: {  	[bflag:$0x0] =	sbarrier.arrive $0xFFFF  }
0x64: {  	_ =	strace $0x90000047  }
0x65: {  	s0 =	stileid.u32;
	[bflag:$0x2] =	sbarrier.arrive $0xFFFF  }
0x66: {  	p0 =	sne.s32 s0, $0x0;
	s0 =	rddreg [dreg:$0x2]  }
0x67: {  	s0 =	sadd.s32 @!p0 $0x100000, s0  }
0x68: {  	[sflag:s0] =	ssyncadd.tile.s32 @!p0 $0x1;
	_ =	shalt  }
.Lfunc_end2:
_tile_overlayer_lowered:
.L_overlay_start_2:
0x69: {  	(tag) =	ssettag $0x2  }
0x6a: {  	s0 =	rddreg [dreg:$0x0];
	s2 =	stileid.u32  }
0x6b: {  	s1 =	rddreg [dreg:$0x1];
	p0 =	sne.s32 s2, $0x0  }
0x6c: {  	s3 =	rddreg [dreg:$0x2];
	[bflag:$0x3] =	sbarrier.arrive $0xFFFF;
	s2 =	simm.s32 @!p0 $0x1C09  }
0x6d: {  	[timem:s3], [sflag:s2] =	dma.local @!p0 [hbm:s0], s1  }
0x6e: {  	s0 =	simm.s32 @!p0 $0x9  }
0x6f: {  	_ =	swait.ge @!p0 [sflag:s0], s1  }
0x70: {  	s1 =	ssub.s32 @!p0 $0x0, s1;
	[sflag:s0] =	ssyncset.done @!p0 $0x0  }
0x71: {  	[sflag:s0] =	ssyncadd.s32 @!p0 s1  }
0x72: {  	[bflag:$0x3] =	sbarrier.arrive $0xFFFF  }
0x73: {  	_ =	shalt  }

// kernel: sparse-core-data-format-call.cloned.1.call-start
scs
called_computation_lowered:
.L_overlay_start_0:
0x0: {  	s2 =	sld [smem:$0x3FD9]  }
0x1: {  	s3 =	sld [smem:$0x3FFE];
	_ =	sdelay $0x1  }
0x2: {  	s1 =	srdreg.scid  }
0x3: {  	s0 =	sand.u32 $0x1, s1  }
0x4: {  	s15 =	sshll.u32 s0, $0xA;
	s2 =	sadd.s32 s3, s2  }
0x5: {  	s2 =	sadd.s32 s2, s15  }
0x6: {  	[smem:$0x3FC5] =	sst s2  }
0x7: {  	_ = 	snop  }
0x8: {  	s2 =	sld [smem:$0x3FD0];
	_ =	sdelay $0x2  }
0x9: {  	s16 =	simm.s32 $0xA;
	s4 =	simm.s32 $0x10  }
0xa: {  	[smem:s4], [sflag:s16] =	dma.local [hbm:s2], $0x1  }
0xb: {  	_ =	swait.eq [sflag:s16], $0x1  }
0xc: {  	[sflag:s16] =	ssyncset.done $0x0  }
0xd: {  	[sflag:s16] =	ssyncadd.s32 $0xFFFFFFFF  }
0xe: {  	s17 =	sld [smem:$0x10];
	(tm) =	ssettm $0x1  }
0xf: {  	s18 =	sld [smem:$0x3FFB];
	_ =	sdelay $0x3  }
0x10: {  	_ =	strace s18  }
0x11: {  	s3 =	sld [smem:$0x3FFC];
	_ =	sdelay $0x3  }
0x12: {  	_ =	strace s3  }
0x13: {  	s3 =	sld [smem:$0x3FFD];
	_ =	sdelay $0x3  }
0x14: {  	_ =	strace s3  }
0x15: {  	_ =	strace $0x8FFFFFFF  }
0x16: {  	s19 =	sld [smem:$0x3FDB];
	_ =	sdelay $0x1  }
0x17: {  	s20 =	simm.s32 $_scs_section_size  }
0x18: {  	s5 =	simm.s32 $_size__tile_overlayer_lowered;
	s6 =	simm.s32 $_tile_overlayer_lowered  }
0x19: {  	s23 =	simm.s32 $0x1BFF;
	s22 =	sshll.u32 s6, $0x1;
	s3 =	sadd.s32 s20, s19  }
0x1a: {  	s7 =	simm.s32 $0x0;
	s21 =	sshll.u32 s5, $0x1;
	s5 =	sadd.s32 s22, s3  }
0x1b: {  	[timem:s7], [sflag:s23] =	dma.local [hbm:s5], s21  }
0x1c: {  	_ =	swait.ge [sflag:s23], s21  }
0x1d: {  	s4 =	ssub.s32 $0x0, s21;
	[sflag:s23] =	ssyncset.done $0x0  }
0x1e: {  	[sflag:s23] =	ssyncadd.s32 s4;
	_ =	sdelay $0x1  }
0x1f: {  	s24 =	simm.s32 $0x1B8B  }
0x20: {  	_ =	swait.ge [sflag:s24], $0x1  }
0x21: {  	[sflag:s24] =	ssyncset.done $0x0  }
0x22: {  	s26 =	simm.s32 $0x1B8E;
	s25 =	sld [smem:$0x3FFE];
	[sflag:s24] =	ssyncadd.s32 $0xFFFFFFFF  }
0x23: {  	s27 =	simm.s32 $execute0_lowered;
	[smem:$0x3FD2] =	sst s26  }
0x24: {  	s5 =	sshll.u32 s27, $0x1;
	_ =	strace $0x80000049;
	[dreg:$0x1] =	wrdreg $0xFFFFFFFF  }
0x25: {  	s28 =	simm.s32 $_size_execute0_lowered;
	s3 =	sadd.s32 s3, s5;
	[dreg:$0x0] =	wrdreg $0x0  }
0x26: {  	s5 =	sshll.u32 s28, $0x1;
	[dreg:$0x2] =	wrdreg s3  }
0x27: {  	[dreg:$0x3] =	wrdreg s5  }
0x28: {  	[dreg:$0x4] =	wrdreg $0xC0  }
0x29: {  	_ =	task [dreg:s7], $0x5FFFF  }
0x2a: {  	[dreg:$0x1] =	wrdreg $0xFFFFFFFF  }
0x2b: {  	[dreg:$0x0] =	wrdreg $0x60  }
0x2c: {  	[dreg:$0x2] =	wrdreg s25  }
0x2d: {  	[dreg:$0x3] =	wrdreg s17  }
0x2e: {  	[dreg:$0x4] =	wrdreg $0x9  }
0x2f: {  	_ =	task.clear_ibuf [dreg:s7], $0x5FFFF;
	_ =	strace $0x90000049  }
0x30: {  	s29 =	simm.s32 $0x9;
	_ =	strace $0x8000004B  }
0x31: {  	_ =	swait.ge [sflag:s29], $0x1  }
0x32: {  	[sflag:s29] =	ssyncadd.s32 $0xFFFFFFFF  }
0x33: {  	_ =	strace $0x9000004B  }
0x34: {  	_ =	sfence  }
0x35: {  	s30 =	sld [smem:$0x0];
	_ =	sdelay $0x2  }
0x36: {  	s31 =	sshll.u32 s1, $0xD;
	s1 =	sshrl.u32 s1, $0x2  }
0x37: {  	s3 =	sand.u32 $0x4000, s31;
	s1 =	sadd.s32 s1, s30  }
0x38: {  	s0 =	sor.u32 s3, s0;
	s1 =	sshll.u32 s1, $0x11  }
0x39: {  	s0 =	sor.u32 s1, s0  }
0x3a: {  	s0 =	sadd.s32 $0x8F2B, s0  }
0x3b: {  	[sflag:s0] =	ssyncadd.remote.s32 $0x1  }
0x3c: {  	_ =	sfence.sel $0xFFFF  }
0x3d: {  	[dreg:$0x0] =	wrdreg $0xFFFFFFFF;
	(pc) =	sbr.abs _section_cstart, $3  }
0x3e: {  	[dreg:$0x1] =	wrdreg $0xFFFFFFFF  }
0x3f: {  	_ =	task.clear_ibuf [dreg:s7], $0x2FFFF;
	_ =	strace $0x9FFFFFFF  }
0x40: {  	(tm) =	ssettm $0x7FFFFFFF  }
0x41: {  	_ =	shalt  }
tec
execute0_lowered:
.L_overlay_start_1:
0x0: {  	(tag) =	ssettag $0x1  }
0x1: {  	s0 =	srdreg.scid  }
0x2: {  	s1 =	sshll.u32 s0, $0x4  }
0x3: {  	s0 =	stileid.u32;
	s1 =	sand.u32 $0x10, s1  }
0x4: {  	s1 =	sor.u32 s0, s1  }
0x5: {  	s6 =	rddreg [dreg:$0x0];
	s4 =	simm.s32 $0x1;
	s2 =	sshll.u32 s1, $0x7  }
0x6: {  	s7 =	simm.s32 $0x2;
	s12 =	simm.s32 $0x0;
	s1 =	ssub.s32 $0x1000, s2  }
0x7: {  	s8 =	simm.s32 $0x8000;
	s13 =	simm.s32 $0x0;
	s3 =	sand.u32 $0xF80, s1  }
0x8: {  	s9 =	simm.s32 $0x0;
	s5 =	sshrl.u32 s1, $0xC;
	p0 =	sne.s32 s3, $0x0  }
.Ltmp0:
0x9: {  	s1 =	rddreg [dreg:$0x2];
	s4 =	simm.s32 @!p0 $0x0;
	(pc) =	sbr.rel .LBB1_1-.Ltmp0, $4  }
0xa: {  	s11 =	simm.s32 $0x0;
	s3 =	rddreg [dreg:$0x1];
	s5 =	sadd.s32 s4, s5  }
0xb: {  	_ =	strace $0x8000004A;
	s4 =	simm.s32 $0x1;
	s5 =	smul.u32 $0xC8, s5  }
0xc: {  	s6 =	sadd.s32 $0xF43000, s6;
	s10 =	smov.u32 s2;
	[sflag:s4] =	ssyncpa.u1 $0x0  }
0xd: {  	p0 =	por $0x0, $0x0;
	[sflag:s7] =	ssyncpa.u1 $0x0;
	s7 =	sor.u32 $0x1, s5  }
.LBB1_4:
0xe: {  	s16 =	sshll.u32 s13, $0x3;
	s17 =	sand.u32 $0x78, s13  }
0xf: {  	s30 =	sand.u32 $0x7E00, s13;
	s12 =	sshll.u32 s12, $0xF;
	s16 =	sand.u32 $0xC00, s16  }
0x10: {  	[tilespmem:s15+$0x810 ss:$0x81] =	vst.msk $0xffff, v2;
	s31 =	sand.u32 $0x7, s13;
	s16 =	sor.u32 s17, s16;
	s17 =	sadd.s32 s3, s30  }
0x11: {  	[tilespmem:s15+$0x1020 ss:$0x81] =	vst.msk $0xffff, v0;
	s13 =	sshll.u32 s31, $0x12;
	s12 =	sadd.s32 s12, s17;
	s16 =	sshrl.u32 s16, $0x3  }
0x12: {  	[tilespmem:s15+$0x0 ss:$0x81] =	vst.msk $0xffff, v1;
	s13 =	sor.u32 $0x400, s13;
	s12 =	sadd.s32 s16, s12  }
0x13: {  	[hbm4b:s12+s13] =	stream.strided.scatter [tilespmem:s14], [sflag:$0x2], $0x2000, s8, s13, $0x20;
	[tilespmem:$0x8080] =	vst v63  }
.LBB1_5:
0x14: {  	s14 =	sadd.s32 $0x1, s9  }
0x15: {  	s12 =	sadd.s32 $0x1000, s10;
	s16 =	smov.u32 s10;
	p2 =	sgt.s32 s14, $0xC7  }
0x16: {  	s16 =	smov.u32 @p2 s12  }
0x17: {  	s14 =	simm.s32 @p2 $0x0;
	p2 =	sgt.s32 s16, $0xFFF  }
0x18: {  	s16 =	smov.u32 @p2 s2;
	p2 =	sne.s32 s11, s7  }
.Ltmp1:
0x19: {  	p1 =	slt.u32 s11, $0x2;
	(pc) =	sbr.rel @!p2 .LBB1_6-.Ltmp1, $4  }
0x1a: {  	s15 =	simm.s32 @!p1 $0x2  }
0x1b: {  	s13 =	smov.u32 s10;
	p0 =	por !p0, !p0;
	_ =	swait.ge @!p1 [sflag:s15], $0x2000  }
0x1c: {  	s12 =	smov.u32 s9;
	[sflag:s15] =	ssyncset.done @!p1 $0x0;
	s9 =	smov.u32 s14  }
0x1d: {  	s11 =	sadd.s32 $0x1, s11;
	[sflag:s15] =	ssyncadd.s32 @!p1 $0xFFFFE000;
	s10 =	smov.u32 s16  }
.LBB1_1:
0x1e: {  	p1 =	sge.u32 s11, s5  }
0x1f: {  	s14 =	sand.u32 @!p1 $0x1FFFFFF, s9  }
0x20: {  	s15 =	smulhi.u32 @!p1 $0x147AE15, s14;
	_ =	sdelay $0x1  }
0x21: {  	s15 =	smul.u32 @!p1 $0xC8, s15  }
0x22: {  	s16 =	sxor.u32 @!p1 $0xFFFFFFFF, s11;
	s17 =	smul.u32 @!p1 $0xC80, s10  }
0x23: {  	s31 =	sadd.s32 $0xFFFFFFFF, s11;
	s16 =	sshll.u32 @!p1 s16, $0xD;
	s14 =	ssub.s32 @!p1 s14, s15  }
0x24: {  	s15 =	sand.u32 @!p1 $0x2000, s16;
	s16 =	sadd.s32 @!p1 s6, s17;
	s14 =	sshll.u32 @!p1 s14, $0x4  }
0x25: {  	s17 =	simm.s32 @!p1 $0x6400;
	s14 =	sadd.s32 @!p1 s14, s16;
	s16 =	simm.s32 @!p1 $0x40  }
0x26: {  	[tilespmem:s15], [sflag:$0x1] =	stream.strided.gather @!p1 [hbm4b:s14+s16], $0x2000, s17, s16, $0x38;
	[tilespmem:$0x8080] =	vst v63  }
0x27: {  	p1 =	sge.u32 s31, s5  }
.Ltmp2:
0x28: {  	_ = 	snop;
	(pc) =	sbr.rel @p1 .LBB1_5-.Ltmp2, $1  }
0x29: {  	_ =	sdelay $0x3  }
0x2a: {  	s14 =	simm.s32 $0x1  }
0x2b: {  	_ =	swait.ge [sflag:s4], $0x2000;
	s14 =	simm.s32 @!p0 $0x0  }
0x2c: {  	[sflag:s4] =	ssyncset.done $0x0;
	s15 =	sshll.u32 s14, $0xD  }
0x2d: {  	[sflag:s4] =	ssyncadd.s32 $0xFFFFE000;
	s18 =	sor.u32 $0x20, s15  }
0x2e: {  	s14 =	smul.u32 $0x8100, s14;
	v3 =	vld [tilespmem:s18+$0x10]  }
0x2f: {  	s30 =	sand.u32 $0x1, s11;
	v2 =	vld [tilespmem:s18+$0xFFFFFFF0]  }
0x30: {  	s15 =	smul.u32 $0x8100, s30;
	s14 =	sshrl.u32 s14, $0x2;
	v0 =	vld [tilespmem:s18+$0x0]  }
0x31: {  	v1 =	vld [tilespmem:s18+$0xFFFFFFE0];
	s16 =	sor.u32 $0x4000, s14  }
0x32: {  	s31 =	sshrl.u32 s15, $0x2;
	s15 =	sadd.s32 $0x0, s16  }
0x33: {  	s17 =	simm.s32 $0x4;
	s18 =	sadd.s32 $0x40, s18;
	s14 =	sor.u32 $0x4000, s31;
	[tilespmem:s15+$0x1830 ss:$0x81] =	vst.msk $0xffff, v3  }
.LBB1_3:
0x34: {  	v3 =	vld [tilespmem:s18+$0x10];
	p1 =	sne.s32 s17, $0x1FC;
	[tilespmem:s15+$0x810 ss:$0x81] =	vst.msk $0xffff, v2;
	s19 =	smov.u32 s17;
	s17 =	sadd.s32 $0x4, s17  }
.Ltmp3:
0x35: {  	v2 =	vld [tilespmem:s18+$0xFFFFFFF0];
	[tilespmem:s15+$0x1020 ss:$0x81] =	vst.msk $0xffff, v0;
	(pc) =	sbr.rel @p1 .LBB1_3-.Ltmp3, $4  }
0x36: {  	v0 =	vld [tilespmem:s18+$0x0];
	[tilespmem:s15+$0x0 ss:$0x81] =	vst.msk $0xffff, v1  }
0x37: {  	s15 =	sshra.s32 s19, $0x2;
	v1 =	vld [tilespmem:s18+$0xFFFFFFE0]  }
0x38: {  	s15 =	sadd.s32 s15, s16  }
0x39: {  	s18 =	sadd.s32 $0x40, s18;
	[tilespmem:s15+$0x1830 ss:$0x81] =	vst.msk $0xffff, v3  }
.Ltmp4:
0x3a: {  	_ = 	snop;
	(pc) =	sbr.rel .LBB1_4-.Ltmp4, $1  }
0x3b: {  	_ =	sdelay $0x3  }
.LBB1_6:
0x3c: {  	_ =	sfence.sel $0x180000  }
0x3d: {  	s2 =	simm.s32 $0x1;
	[bflag:$0x0] =	sbarrier.arrive $0xFFFF  }
0x3e: {  	s31 =	simm.s32 $0x2;
	[sflag:s2] =	ssyncpa.u1 $0x1  }
0x3f: {  	[sflag:s31] =	ssyncpa.u1 $0x1  }
0x40: {  	p0 =	sne.s32 s0, $0x0;
	_ =	strace $0x9000004A  }
0x41: {  	s0 =	sadd.s32 @!p0 $0x100000, s1;
	[bflag:$0x2] =	sbarrier.arrive $0xFFFF  }
0x42: {  	[sflag:s0] =	ssyncadd.tile.s32 @!p0 $0x1;
	_ =	shalt  }
.Lfunc_end1:
_tile_overlayer_lowered:
.L_overlay_start_2:
0x43: {  	(tag) =	ssettag $0x2  }
0x44: {  	s0 =	rddreg [dreg:$0x0];
	s2 =	stileid.u32  }
0x45: {  	s1 =	rddreg [dreg:$0x1];
	p0 =	sne.s32 s2, $0x0  }
0x46: {  	s3 =	rddreg [dreg:$0x2];
	[bflag:$0x3] =	sbarrier.arrive $0xFFFF;
	s2 =	simm.s32 @!p0 $0x1C01  }
0x47: {  	[timem:s3], [sflag:s2] =	dma.local @!p0 [hbm:s0], s1  }
0x48: {  	s0 =	simm.s32 @!p0 $0x1  }
0x49: {  	_ =	swait.ge @!p0 [sflag:s0], s1  }
0x4a: {  	s1 =	ssub.s32 @!p0 $0x0, s1;
	[sflag:s0] =	ssyncset.done @!p0 $0x0  }
0x4b: {  	[sflag:s0] =	ssyncadd.s32 @!p0 s1  }
0x4c: {  	[bflag:$0x3] =	sbarrier.arrive $0xFFFF  }
0x4d: {  	_ =	shalt  }

</sc_bundles>
